<compile_context>
chip_gen: v7x
topology: tpu7x:2x2x1
jax: 0.10.2.dev20260603
libtpu: 0.0.44.dev20260713+nightly
codegen_flags: <defaults>
</compile_context>

<pallas_src>
import functools

import jax
import jax.numpy as jnp
from jax import lax
from jax.experimental import pallas as pl
from jax.experimental.pallas import tpu as pltpu
from jax.experimental.pallas import tpu_sc as plsc

_MAX_LEN = 4194304
_N_APPENDS = 6291456
_H = _N_APPENDS - _MAX_LEN
_NW = 32
_PER_W = _MAX_LEN // _NW


_CHUNK = 16384
_NCHUNK = _PER_W // _CHUNK
_NSLOT = 4


@functools.partial(
    pl.kernel,
    mesh=plsc.VectorSubcoreMesh(core_axis_name="c", subcore_axis_name="s"),
    out_type=jax.ShapeDtypeStruct((_MAX_LEN,), jnp.float32),
    scratch_types=[pltpu.VMEM((_NSLOT, _CHUNK), jnp.float32)]
    + [pltpu.SemaphoreType.DMA] * (2 * _NSLOT),
)
def _ring_rotate(values_hbm, out_hbm, buf, *sems):
    sem_in = sems[:_NSLOT]
    sem_out = sems[_NSLOT:]
    wid = lax.axis_index("s") * 2 + lax.axis_index("c")
    dst = wid * _PER_W
    src = dst + jnp.where(dst < _H, _MAX_LEN, 0)

    def rd(k):
        return pltpu.make_async_copy(
            values_hbm.at[pl.ds(src + k * _CHUNK, _CHUNK)], buf.at[k % _NSLOT],
            sem_in[k % _NSLOT])

    def wr(k):
        return pltpu.make_async_copy(
            buf.at[k % _NSLOT], out_hbm.at[pl.ds(dst + k * _CHUNK, _CHUNK)],
            sem_out[k % _NSLOT])

    rd(0).start()
    rd(1).start()
    for k in range(_NCHUNK):
        rd(k).wait()
        wr(k).start()
        if k + 2 < _NCHUNK:
            if k >= 2:
                wr(k - 2).wait()
            rd(k + 2).start()
    for k in range(_NCHUNK - _NSLOT, _NCHUNK):
        wr(k).wait()


def kernel(values, buffer):
    del buffer
    return _ring_rotate(values)

# --- scband reference (transcript-rebuilt; emitter-appended) ---
"""Pipeline reference for scband-thdeque-7687991460399 (READ-ONLY COPY).

The authoritative reference and input builder live on the scoring server;
editing this copy changes nothing except your own understanding.
"""

import jax, jax.numpy as jnp
import numpy as np

MAX_LEN = 4194304
N_APPENDS = 6291456


def setup_inputs(seed: int = 0) -> dict:
    key = jax.random.key(seed)
    values = jax.random.normal(key, (N_APPENDS,), dtype=jnp.float32)
    # module state: register_buffer('_buffer', torch.zeros((max_len,), dtype=dtype))
    buffer = jnp.zeros((MAX_LEN,), dtype=jnp.float32)
    return {"values": values, "buffer": buffer}


def reference(values, buffer):
    """Batched simulation of sequential THDeque.append(value) calls starting
    from head=0. Each append i writes values[i] at position i % max_len,
    overwriting earlier entries (ring buffer). Because later writes win,
    only the last max_len appends are live; their positions are unique so
    the scatter-overwrite is deterministic. Returns the final buffer state
    (equivalent to .data since the deque is full after N >= max_len appends)."""
    max_len = buffer.shape[0]
    n = values.shape[0]
    start = max(n - max_len, 0)  # static python int
    positions = jnp.remainder(jnp.arange(start, n, dtype=jnp.int64), max_len)
    new_buf = buffer.at[positions].set(values[start:])
    return new_buf

if __name__ == "__main__":
    import jax
    _d = setup_inputs()
    print(jax.jit(kernel)(*tuple(_d.values())))

</pallas_src>

<mosaic_0001>
#map = affine_map<(d0, d1) -> (0)>
module attributes {stable_mosaic.version = 14 : i64} {
  func.func @_ring_rotate(%arg0: i32, %arg1: i32, %arg2: memref<6291456xf32, #tpu.memory_space<hbm>>, %arg3: memref<4194304xf32, #tpu.memory_space<hbm>>, %arg4: memref<4x16384xf32, #tpu.memory_space<vmem>>, %arg5: memref<!tpu.dma_semaphore, #tpu.memory_space<semaphore_mem>>, %arg6: memref<!tpu.dma_semaphore, #tpu.memory_space<semaphore_mem>>, %arg7: memref<!tpu.dma_semaphore, #tpu.memory_space<semaphore_mem>>, %arg8: memref<!tpu.dma_semaphore, #tpu.memory_space<semaphore_mem>>, %arg9: memref<!tpu.dma_semaphore, #tpu.memory_space<semaphore_mem>>, %arg10: memref<!tpu.dma_semaphore, #tpu.memory_space<semaphore_mem>>, %arg11: memref<!tpu.dma_semaphore, #tpu.memory_space<semaphore_mem>>, %arg12: memref<!tpu.dma_semaphore, #tpu.memory_space<semaphore_mem>>) attributes {dimension_semantics = [#tpu.dimension_semantics<core_parallel>, #tpu.dimension_semantics<subcore_parallel>], iteration_bounds = array<i64: 2, 16>, scalar_prefetch = 0 : i64, scratch_operands = 9 : i64, tpu.core_type = #tpu.core_type<sc_vector_subcore>, window_params = [{transform_indices = #map}, {transform_indices = #map}]} {
    %mul3A = arith.constant 2 : i32
    %mul3A_0 = arith.muli %arg1, %mul3A : i32
    %add3A = arith.addi %mul3A_0, %arg0 : i32
    %mul3A_1 = arith.constant 131072 : i32
    %mul3A_2 = arith.muli %add3A, %mul3A_1 : i32
    %lt3A = arith.constant 2097152 : i32
    %lt3A_3 = arith.cmpi slt, %mul3A_2, %lt3A : i32
    %jit3A = arith.constant 4194304 : i32
    %jit3A_4 = arith.constant 0 : i32
    %select_n3A = arith.select %lt3A_3, %jit3A, %jit3A_4 : i32
    %add3A_5 = arith.addi %mul3A_2, %select_n3A : i32
    %add3A_6 = arith.constant 0 : i32
    %add3A_7 = arith.addi %add3A_5, %add3A_6 : i32
    %dma_start3A = arith.constant 0 : i32
    %dma_start3A_8 = arith.constant 0 : i32
    %dma_start3A_9 = tpu.memref_slice %arg4[%dma_start3A, %dma_start3A_8] : memref<4x16384xf32, #tpu.memory_space<vmem>> -> memref<1x16384xf32, #tpu.memory_space<vmem>>
    %dma_start3A_10 = tpu.memref_squeeze %dma_start3A_9 : memref<1x16384xf32, #tpu.memory_space<vmem>> -> memref<16384xf32, #tpu.memory_space<vmem>>
    %dma_start3A_11 = tpu.memref_slice %arg2[%add3A_7] : memref<6291456xf32, #tpu.memory_space<hbm>> -> memref<16384xf32, #tpu.memory_space<hbm>>
    %dma_start3A_12 = arith.constant 0 : i32
    %dma_start3A_13 = tpu.memref_slice %arg4[%dma_start3A, %dma_start3A_12] : memref<4x16384xf32, #tpu.memory_space<vmem>> -> memref<1x16384xf32, #tpu.memory_space<vmem>>
    %dma_start3A_14 = tpu.memref_squeeze %dma_start3A_13 : memref<1x16384xf32, #tpu.memory_space<vmem>> -> memref<16384xf32, #tpu.memory_space<vmem>>
    %dma_start3A_15 = tpu.memref_slice %arg2[%add3A_7] : memref<6291456xf32, #tpu.memory_space<hbm>> -> memref<16384xf32, #tpu.memory_space<hbm>>
    tpu.enqueue_dma source(%dma_start3A_15 : memref<16384xf32, #tpu.memory_space<hbm>>) target(%dma_start3A_14 : memref<16384xf32, #tpu.memory_space<vmem>>) target_semaphore(%arg5 : memref<!tpu.dma_semaphore, #tpu.memory_space<semaphore_mem>>)
    %add3A_16 = arith.constant 16384 : i32
    %add3A_17 = arith.addi %add3A_5, %add3A_16 : i32
    %dma_start3A_18 = arith.constant 1 : i32
    %dma_start3A_19 = arith.constant 0 : i32
    %dma_start3A_20 = tpu.memref_slice %arg4[%dma_start3A_18, %dma_start3A_19] : memref<4x16384xf32, #tpu.memory_space<vmem>> -> memref<1x16384xf32, #tpu.memory_space<vmem>>
    %dma_start3A_21 = tpu.memref_squeeze %dma_start3A_20 : memref<1x16384xf32, #tpu.memory_space<vmem>> -> memref<16384xf32, #tpu.memory_space<vmem>>
    %dma_start3A_22 = tpu.memref_slice %arg2[%add3A_17] : memref<6291456xf32, #tpu.memory_space<hbm>> -> memref<16384xf32, #tpu.memory_space<hbm>>
    %dma_start3A_23 = arith.constant 0 : i32
    %dma_start3A_24 = tpu.memref_slice %arg4[%dma_start3A_18, %dma_start3A_23] : memref<4x16384xf32, #tpu.memory_space<vmem>> -> memref<1x16384xf32, #tpu.memory_space<vmem>>
    %dma_start3A_25 = tpu.memref_squeeze %dma_start3A_24 : memref<1x16384xf32, #tpu.memory_space<vmem>> -> memref<16384xf32, #tpu.memory_space<vmem>>
    %dma_start3A_26 = tpu.memref_slice %arg2[%add3A_17] : memref<6291456xf32, #tpu.memory_space<hbm>> -> memref<16384xf32, #tpu.memory_space<hbm>>
    tpu.enqueue_dma source(%dma_start3A_26 : memref<16384xf32, #tpu.memory_space<hbm>>) target(%dma_start3A_25 : memref<16384xf32, #tpu.memory_space<vmem>>) target_semaphore(%arg6 : memref<!tpu.dma_semaphore, #tpu.memory_space<semaphore_mem>>)
    %add3A_27 = arith.constant 0 : i32
    %add3A_28 = arith.addi %add3A_5, %add3A_27 : i32
    %dma_wait3A = arith.constant 0 : i32
    %dma_wait3A_29 = arith.constant 0 : i32
    %dma_wait3A_30 = tpu.memref_slice %arg4[%dma_wait3A, %dma_wait3A_29] : memref<4x16384xf32, #tpu.memory_space<vmem>> -> memref<1x16384xf32, #tpu.memory_space<vmem>>
    %dma_wait3A_31 = tpu.memref_squeeze %dma_wait3A_30 : memref<1x16384xf32, #tpu.memory_space<vmem>> -> memref<16384xf32, #tpu.memory_space<vmem>>
    %dma_wait3A_32 = tpu.memref_slice %arg2[%add3A_28] : memref<6291456xf32, #tpu.memory_space<hbm>> -> memref<16384xf32, #tpu.memory_space<hbm>>
    %dma_wait3A_33 = arith.constant 0 : i32
    %dma_wait3A_34 = tpu.memref_slice %arg4[%dma_wait3A, %dma_wait3A_33] : memref<4x16384xf32, #tpu.memory_space<vmem>> -> memref<1x16384xf32, #tpu.memory_space<vmem>>
    %dma_wait3A_35 = tpu.memref_squeeze %dma_wait3A_34 : memref<1x16384xf32, #tpu.memory_space<vmem>> -> memref<16384xf32, #tpu.memory_space<vmem>>
    %dma_wait3A_36 = tpu.memref_slice %arg2[%add3A_28] : memref<6291456xf32, #tpu.memory_space<hbm>> -> memref<16384xf32, #tpu.memory_space<hbm>>
    tpu.wait_dma2 semaphore(%arg5 : memref<!tpu.dma_semaphore, #tpu.memory_space<semaphore_mem>>) src(%dma_wait3A_36 : memref<16384xf32, #tpu.memory_space<hbm>>) dst(%dma_wait3A_35 : memref<16384xf32, #tpu.memory_space<vmem>>)
    %add3A_37 = arith.constant 0 : i32
    %add3A_38 = arith.addi %mul3A_2, %add3A_37 : i32
    %dma_start3A_39 = arith.constant 0 : i32
    %dma_start3A_40 = arith.constant 0 : i32
    %dma_start3A_41 = tpu.memref_slice %arg4[%dma_start3A_39, %dma_start3A_40] : memref<4x16384xf32, #tpu.memory_space<vmem>> -> memref<1x16384xf32, #tpu.memory_space<vmem>>
    %dma_start3A_42 = tpu.memref_squeeze %dma_start3A_41 : memref<1x16384xf32, #tpu.memory_space<vmem>> -> memref<16384xf32, #tpu.memory_space<vmem>>
    %dma_start3A_43 = tpu.memref_slice %arg3[%add3A_38] : memref<4194304xf32, #tpu.memory_space<hbm>> -> memref<16384xf32, #tpu.memory_space<hbm>>
    %dma_start3A_44 = tpu.memref_slice %arg3[%add3A_38] : memref<4194304xf32, #tpu.memory_space<hbm>> -> memref<16384xf32, #tpu.memory_space<hbm>>
    %dma_start3A_45 = arith.constant 0 : i32
    %dma_start3A_46 = tpu.memref_slice %arg4[%dma_start3A_39, %dma_start3A_45] : memref<4x16384xf32, #tpu.memory_space<vmem>> -> memref<1x16384xf32, #tpu.memory_space<vmem>>
    %dma_start3A_47 = tpu.memref_squeeze %dma_start3A_46 : memref<1x16384xf32, #tpu.memory_space<vmem>> -> memref<16384xf32, #tpu.memory_space<vmem>>
    tpu.enqueue_dma source(%dma_start3A_47 : memref<16384xf32, #tpu.memory_space<vmem>>) target(%dma_start3A_44 : memref<16384xf32, #tpu.memory_space<hbm>>) target_semaphore(%arg9 : memref<!tpu.dma_semaphore, #tpu.memory_space<semaphore_mem>>)
    %add3A_48 = arith.constant 32768 : i32
    %add3A_49 = arith.addi %add3A_5, %add3A_48 : i32
    %dma_start3A_50 = arith.constant 2 : i32
    %dma_start3A_51 = arith.constant 0 : i32
    %dma_start3A_52 = tpu.memref_slice %arg4[%dma_start3A_50, %dma_start3A_51] : memref<4x16384xf32, #tpu.memory_space<vmem>> -> memref<1x16384xf32, #tpu.memory_space<vmem>>
    %dma_start3A_53 = tpu.memref_squeeze %dma_start3A_52 : memref<1x16384xf32, #tpu.memory_space<vmem>> -> memref<16384xf32, #tpu.memory_space<vmem>>
    %dma_start3A_54 = tpu.memref_slice %arg2[%add3A_49] : memref<6291456xf32, #tpu.memory_space<hbm>> -> memref<16384xf32, #tpu.memory_space<hbm>>
    %dma_start3A_55 = arith.constant 0 : i32
    %dma_start3A_56 = tpu.memref_slice %arg4[%dma_start3A_50, %dma_start3A_55] : memref<4x16384xf32, #tpu.memory_space<vmem>> -> memref<1x16384xf32, #tpu.memory_space<vmem>>
    %dma_start3A_57 = tpu.memref_squeeze %dma_start3A_56 : memref<1x16384xf32, #tpu.memory_space<vmem>> -> memref<16384xf32, #tpu.memory_space<vmem>>
    %dma_start3A_58 = tpu.memref_slice %arg2[%add3A_49] : memref<6291456xf32, #tpu.memory_space<hbm>> -> memref<16384xf32, #tpu.memory_space<hbm>>
    tpu.enqueue_dma source(%dma_start3A_58 : memref<16384xf32, #tpu.memory_space<hbm>>) target(%dma_start3A_57 : memref<16384xf32, #tpu.memory_space<vmem>>) target_semaphore(%arg7 : memref<!tpu.dma_semaphore, #tpu.memory_space<semaphore_mem>>)
    %add3A_59 = arith.constant 16384 : i32
    %add3A_60 = arith.addi %add3A_5, %add3A_59 : i32
    %dma_wait3A_61 = arith.constant 1 : i32
    %dma_wait3A_62 = arith.constant 0 : i32
    %dma_wait3A_63 = tpu.memref_slice %arg4[%dma_wait3A_61, %dma_wait3A_62] : memref<4x16384xf32, #tpu.memory_space<vmem>> -> memref<1x16384xf32, #tpu.memory_space<vmem>>
    %dma_wait3A_64 = tpu.memref_squeeze %dma_wait3A_63 : memref<1x16384xf32, #tpu.memory_space<vmem>> -> memref<16384xf32, #tpu.memory_space<vmem>>
    %dma_wait3A_65 = tpu.memref_slice %arg2[%add3A_60] : memref<6291456xf32, #tpu.memory_space<hbm>> -> memref<16384xf32, #tpu.memory_space<hbm>>
    %dma_wait3A_66 = arith.constant 0 : i32
    %dma_wait3A_67 = tpu.memref_slice %arg4[%dma_wait3A_61, %dma_wait3A_66] : memref<4x16384xf32, #tpu.memory_space<vmem>> -> memref<1x16384xf32, #tpu.memory_space<vmem>>
    %dma_wait3A_68 = tpu.memref_squeeze %dma_wait3A_67 : memref<1x16384xf32, #tpu.memory_space<vmem>> -> memref<16384xf32, #tpu.memory_space<vmem>>
    %dma_wait3A_69 = tpu.memref_slice %arg2[%add3A_60] : memref<6291456xf32, #tpu.memory_space<hbm>> -> memref<16384xf32, #tpu.memory_space<hbm>>
    tpu.wait_dma2 semaphore(%arg6 : memref<!tpu.dma_semaphore, #tpu.memory_space<semaphore_mem>>) src(%dma_wait3A_69 : memref<16384xf32, #tpu.memory_space<hbm>>) dst(%dma_wait3A_68 : memref<16384xf32, #tpu.memory_space<vmem>>)
    %add3A_70 = arith.constant 16384 : i32
    %add3A_71 = arith.addi %mul3A_2, %add3A_70 : i32
    %dma_start3A_72 = arith.constant 1 : i32
    %dma_start3A_73 = arith.constant 0 : i32
    %dma_start3A_74 = tpu.memref_slice %arg4[%dma_start3A_72, %dma_start3A_73] : memref<4x16384xf32, #tpu.memory_space<vmem>> -> memref<1x16384xf32, #tpu.memory_space<vmem>>
    %dma_start3A_75 = tpu.memref_squeeze %dma_start3A_74 : memref<1x16384xf32, #tpu.memory_space<vmem>> -> memref<16384xf32, #tpu.memory_space<vmem>>
    %dma_start3A_76 = tpu.memref_slice %arg3[%add3A_71] : memref<4194304xf32, #tpu.memory_space<hbm>> -> memref<16384xf32, #tpu.memory_space<hbm>>
    %dma_start3A_77 = tpu.memref_slice %arg3[%add3A_71] : memref<4194304xf32, #tpu.memory_space<hbm>> -> memref<16384xf32, #tpu.memory_space<hbm>>
    %dma_start3A_78 = arith.constant 0 : i32
    %dma_start3A_79 = tpu.memref_slice %arg4[%dma_start3A_72, %dma_start3A_78] : memref<4x16384xf32, #tpu.memory_space<vmem>> -> memref<1x16384xf32, #tpu.memory_space<vmem>>
    %dma_start3A_80 = tpu.memref_squeeze %dma_start3A_79 : memref<1x16384xf32, #tpu.memory_space<vmem>> -> memref<16384xf32, #tpu.memory_space<vmem>>
    tpu.enqueue_dma source(%dma_start3A_80 : memref<16384xf32, #tpu.memory_space<vmem>>) target(%dma_start3A_77 : memref<16384xf32, #tpu.memory_space<hbm>>) target_semaphore(%arg10 : memref<!tpu.dma_semaphore, #tpu.memory_space<semaphore_mem>>)
    %add3A_81 = arith.constant 49152 : i32
    %add3A_82 = arith.addi %add3A_5, %add3A_81 : i32
    %dma_start3A_83 = arith.constant 3 : i32
    %dma_start3A_84 = arith.constant 0 : i32
    %dma_start3A_85 = tpu.memref_slice %arg4[%dma_start3A_83, %dma_start3A_84] : memref<4x16384xf32, #tpu.memory_space<vmem>> -> memref<1x16384xf32, #tpu.memory_space<vmem>>
    %dma_start3A_86 = tpu.memref_squeeze %dma_start3A_85 : memref<1x16384xf32, #tpu.memory_space<vmem>> -> memref<16384xf32, #tpu.memory_space<vmem>>
    %dma_start3A_87 = tpu.memref_slice %arg2[%add3A_82] : memref<6291456xf32, #tpu.memory_space<hbm>> -> memref<16384xf32, #tpu.memory_space<hbm>>
    %dma_start3A_88 = arith.constant 0 : i32
    %dma_start3A_89 = tpu.memref_slice %arg4[%dma_start3A_83, %dma_start3A_88] : memref<4x16384xf32, #tpu.memory_space<vmem>> -> memref<1x16384xf32, #tpu.memory_space<vmem>>
    %dma_start3A_90 = tpu.memref_squeeze %dma_start3A_89 : memref<1x16384xf32, #tpu.memory_space<vmem>> -> memref<16384xf32, #tpu.memory_space<vmem>>
    %dma_start3A_91 = tpu.memref_slice %arg2[%add3A_82] : memref<6291456xf32, #tpu.memory_space<hbm>> -> memref<16384xf32, #tpu.memory_space<hbm>>
    tpu.enqueue_dma source(%dma_start3A_91 : memref<16384xf32, #tpu.memory_space<hbm>>) target(%dma_start3A_90 : memref<16384xf32, #tpu.memory_space<vmem>>) target_semaphore(%arg8 : memref<!tpu.dma_semaphore, #tpu.memory_space<semaphore_mem>>)
    %add3A_92 = arith.constant 32768 : i32
    %add3A_93 = arith.addi %add3A_5, %add3A_92 : i32
    %dma_wait3A_94 = arith.constant 2 : i32
    %dma_wait3A_95 = arith.constant 0 : i32
    %dma_wait3A_96 = tpu.memref_slice %arg4[%dma_wait3A_94, %dma_wait3A_95] : memref<4x16384xf32, #tpu.memory_space<vmem>> -> memref<1x16384xf32, #tpu.memory_space<vmem>>
    %dma_wait3A_97 = tpu.memref_squeeze %dma_wait3A_96 : memref<1x16384xf32, #tpu.memory_space<vmem>> -> memref<16384xf32, #tpu.memory_space<vmem>>
    %dma_wait3A_98 = tpu.memref_slice %arg2[%add3A_93] : memref<6291456xf32, #tpu.memory_space<hbm>> -> memref<16384xf32, #tpu.memory_space<hbm>>
    %dma_wait3A_99 = arith.constant 0 : i32
    %dma_wait3A_100 = tpu.memref_slice %arg4[%dma_wait3A_94, %dma_wait3A_99] : memref<4x16384xf32, #tpu.memory_space<vmem>> -> memref<1x16384xf32, #tpu.memory_space<vmem>>
    %dma_wait3A_101 = tpu.memref_squeeze %dma_wait3A_100 : memref<1x16384xf32, #tpu.memory_space<vmem>> -> memref<16384xf32, #tpu.memory_space<vmem>>
    %dma_wait3A_102 = tpu.memref_slice %arg2[%add3A_93] : memref<6291456xf32, #tpu.memory_space<hbm>> -> memref<16384xf32, #tpu.memory_space<hbm>>
    tpu.wait_dma2 semaphore(%arg7 : memref<!tpu.dma_semaphore, #tpu.memory_space<semaphore_mem>>) src(%dma_wait3A_102 : memref<16384xf32, #tpu.memory_space<hbm>>) dst(%dma_wait3A_101 : memref<16384xf32, #tpu.memory_space<vmem>>)
    %add3A_103 = arith.constant 32768 : i32
    %add3A_104 = arith.addi %mul3A_2, %add3A_103 : i32
    %dma_start3A_105 = arith.constant 2 : i32
    %dma_start3A_106 = arith.constant 0 : i32
    %dma_start3A_107 = tpu.memref_slice %arg4[%dma_start3A_105, %dma_start3A_106] : memref<4x16384xf32, #tpu.memory_space<vmem>> -> memref<1x16384xf32, #tpu.memory_space<vmem>>
    %dma_start3A_108 = tpu.memref_squeeze %dma_start3A_107 : memref<1x16384xf32, #tpu.memory_space<vmem>> -> memref<16384xf32, #tpu.memory_space<vmem>>
    %dma_start3A_109 = tpu.memref_slice %arg3[%add3A_104] : memref<4194304xf32, #tpu.memory_space<hbm>> -> memref<16384xf32, #tpu.memory_space<hbm>>
    %dma_start3A_110 = tpu.memref_slice %arg3[%add3A_104] : memref<4194304xf32, #tpu.memory_space<hbm>> -> memref<16384xf32, #tpu.memory_space<hbm>>
    %dma_start3A_111 = arith.constant 0 : i32
    %dma_start3A_112 = tpu.memref_slice %arg4[%dma_start3A_105, %dma_start3A_111] : memref<4x16384xf32, #tpu.memory_space<vmem>> -> memref<1x16384xf32, #tpu.memory_space<vmem>>
    %dma_start3A_113 = tpu.memref_squeeze %dma_start3A_112 : memref<1x16384xf32, #tpu.memory_space<vmem>> -> memref<16384xf32, #tpu.memory_space<vmem>>
    tpu.enqueue_dma source(%dma_start3A_113 : memref<16384xf32, #tpu.memory_space<vmem>>) target(%dma_start3A_110 : memref<16384xf32, #tpu.memory_space<hbm>>) target_semaphore(%arg11 : memref<!tpu.dma_semaphore, #tpu.memory_space<semaphore_mem>>)
    %add3A_114 = arith.constant 0 : i32
    %add3A_115 = arith.addi %mul3A_2, %add3A_114 : i32
    %dma_wait3A_116 = arith.constant 0 : i32
    %dma_wait3A_117 = arith.constant 0 : i32
    %dma_wait3A_118 = tpu.memref_slice %arg4[%dma_wait3A_116, %dma_wait3A_117] : memref<4x16384xf32, #tpu.memory_space<vmem>> -> memref<1x16384xf32, #tpu.memory_space<vmem>>
    %dma_wait3A_119 = tpu.memref_squeeze %dma_wait3A_118 : memref<1x16384xf32, #tpu.memory_space<vmem>> -> memref<16384xf32, #tpu.memory_space<vmem>>
    %dma_wait3A_120 = tpu.memref_slice %arg3[%add3A_115] : memref<4194304xf32, #tpu.memory_space<hbm>> -> memref<16384xf32, #tpu.memory_space<hbm>>
    %dma_wait3A_121 = tpu.memref_slice %arg3[%add3A_115] : memref<4194304xf32, #tpu.memory_space<hbm>> -> memref<16384xf32, #tpu.memory_space<hbm>>
    %dma_wait3A_122 = arith.constant 0 : i32
    %dma_wait3A_123 = tpu.memref_slice %arg4[%dma_wait3A_116, %dma_wait3A_122] : memref<4x16384xf32, #tpu.memory_space<vmem>> -> memref<1x16384xf32, #tpu.memory_space<vmem>>
    %dma_wait3A_124 = tpu.memref_squeeze %dma_wait3A_123 : memref<1x16384xf32, #tpu.memory_space<vmem>> -> memref<16384xf32, #tpu.memory_space<vmem>>
    tpu.wait_dma2 semaphore(%arg9 : memref<!tpu.dma_semaphore, #tpu.memory_space<semaphore_mem>>) src(%dma_wait3A_124 : memref<16384xf32, #tpu.memory_space<vmem>>) dst(%dma_wait3A_121 : memref<16384xf32, #tpu.memory_space<hbm>>)
    %add3A_125 = arith.constant 65536 : i32
    %add3A_126 = arith.addi %add3A_5, %add3A_125 : i32
    %dma_start3A_127 = arith.constant 0 : i32
    %dma_start3A_128 = arith.constant 0 : i32
    %dma_start3A_129 = tpu.memref_slice %arg4[%dma_start3A_127, %dma_start3A_128] : memref<4x16384xf32, #tpu.memory_space<vmem>> -> memref<1x16384xf32, #tpu.memory_space<vmem>>
    %dma_start3A_130 = tpu.memref_squeeze %dma_start3A_129 : memref<1x16384xf32, #tpu.memory_space<vmem>> -> memref<16384xf32, #tpu.memory_space<vmem>>
    %dma_start3A_131 = tpu.memref_slice %arg2[%add3A_126] : memref<6291456xf32, #tpu.memory_space<hbm>> -> memref<16384xf32, #tpu.memory_space<hbm>>
    %dma_start3A_132 = arith.constant 0 : i32
    %dma_start3A_133 = tpu.memref_slice %arg4[%dma_start3A_127, %dma_start3A_132] : memref<4x16384xf32, #tpu.memory_space<vmem>> -> memref<1x16384xf32, #tpu.memory_space<vmem>>
    %dma_start3A_134 = tpu.memref_squeeze %dma_start3A_133 : memref<1x16384xf32, #tpu.memory_space<vmem>> -> memref<16384xf32, #tpu.memory_space<vmem>>
    %dma_start3A_135 = tpu.memref_slice %arg2[%add3A_126] : memref<6291456xf32, #tpu.memory_space<hbm>> -> memref<16384xf32, #tpu.memory_space<hbm>>
    tpu.enqueue_dma source(%dma_start3A_135 : memref<16384xf32, #tpu.memory_space<hbm>>) target(%dma_start3A_134 : memref<16384xf32, #tpu.memory_space<vmem>>) target_semaphore(%arg5 : memref<!tpu.dma_semaphore, #tpu.memory_space<semaphore_mem>>)
    %add3A_136 = arith.constant 49152 : i32
    %add3A_137 = arith.addi %add3A_5, %add3A_136 : i32
    %dma_wait3A_138 = arith.constant 3 : i32
    %dma_wait3A_139 = arith.constant 0 : i32
    %dma_wait3A_140 = tpu.memref_slice %arg4[%dma_wait3A_138, %dma_wait3A_139] : memref<4x16384xf32, #tpu.memory_space<vmem>> -> memref<1x16384xf32, #tpu.memory_space<vmem>>
    %dma_wait3A_141 = tpu.memref_squeeze %dma_wait3A_140 : memref<1x16384xf32, #tpu.memory_space<vmem>> -> memref<16384xf32, #tpu.memory_space<vmem>>
    %dma_wait3A_142 = tpu.memref_slice %arg2[%add3A_137] : memref<6291456xf32, #tpu.memory_space<hbm>> -> memref<16384xf32, #tpu.memory_space<hbm>>
    %dma_wait3A_143 = arith.constant 0 : i32
    %dma_wait3A_144 = tpu.memref_slice %arg4[%dma_wait3A_138, %dma_wait3A_143] : memref<4x16384xf32, #tpu.memory_space<vmem>> -> memref<1x16384xf32, #tpu.memory_space<vmem>>
    %dma_wait3A_145 = tpu.memref_squeeze %dma_wait3A_144 : memref<1x16384xf32, #tpu.memory_space<vmem>> -> memref<16384xf32, #tpu.memory_space<vmem>>
    %dma_wait3A_146 = tpu.memref_slice %arg2[%add3A_137] : memref<6291456xf32, #tpu.memory_space<hbm>> -> memref<16384xf32, #tpu.memory_space<hbm>>
    tpu.wait_dma2 semaphore(%arg8 : memref<!tpu.dma_semaphore, #tpu.memory_space<semaphore_mem>>) src(%dma_wait3A_146 : memref<16384xf32, #tpu.memory_space<hbm>>) dst(%dma_wait3A_145 : memref<16384xf32, #tpu.memory_space<vmem>>)
    %add3A_147 = arith.constant 49152 : i32
    %add3A_148 = arith.addi %mul3A_2, %add3A_147 : i32
    %dma_start3A_149 = arith.constant 3 : i32
    %dma_start3A_150 = arith.constant 0 : i32
    %dma_start3A_151 = tpu.memref_slice %arg4[%dma_start3A_149, %dma_start3A_150] : memref<4x16384xf32, #tpu.memory_space<vmem>> -> memref<1x16384xf32, #tpu.memory_space<vmem>>
    %dma_start3A_152 = tpu.memref_squeeze %dma_start3A_151 : memref<1x16384xf32, #tpu.memory_space<vmem>> -> memref<16384xf32, #tpu.memory_space<vmem>>
    %dma_start3A_153 = tpu.memref_slice %arg3[%add3A_148] : memref<4194304xf32, #tpu.memory_space<hbm>> -> memref<16384xf32, #tpu.memory_space<hbm>>
    %dma_start3A_154 = tpu.memref_slice %arg3[%add3A_148] : memref<4194304xf32, #tpu.memory_space<hbm>> -> memref<16384xf32, #tpu.memory_space<hbm>>
    %dma_start3A_155 = arith.constant 0 : i32
    %dma_start3A_156 = tpu.memref_slice %arg4[%dma_start3A_149, %dma_start3A_155] : memref<4x16384xf32, #tpu.memory_space<vmem>> -> memref<1x16384xf32, #tpu.memory_space<vmem>>
    %dma_start3A_157 = tpu.memref_squeeze %dma_start3A_156 : memref<1x16384xf32, #tpu.memory_space<vmem>> -> memref<16384xf32, #tpu.memory_space<vmem>>
    tpu.enqueue_dma source(%dma_start3A_157 : memref<16384xf32, #tpu.memory_space<vmem>>) target(%dma_start3A_154 : memref<16384xf32, #tpu.memory_space<hbm>>) target_semaphore(%arg12 : memref<!tpu.dma_semaphore, #tpu.memory_space<semaphore_mem>>)
    %add3A_158 = arith.constant 16384 : i32
    %add3A_159 = arith.addi %mul3A_2, %add3A_158 : i32
    %dma_wait3A_160 = arith.constant 1 : i32
    %dma_wait3A_161 = arith.constant 0 : i32
    %dma_wait3A_162 = tpu.memref_slice %arg4[%dma_wait3A_160, %dma_wait3A_161] : memref<4x16384xf32, #tpu.memory_space<vmem>> -> memref<1x16384xf32, #tpu.memory_space<vmem>>
    %dma_wait3A_163 = tpu.memref_squeeze %dma_wait3A_162 : memref<1x16384xf32, #tpu.memory_space<vmem>> -> memref<16384xf32, #tpu.memory_space<vmem>>
    %dma_wait3A_164 = tpu.memref_slice %arg3[%add3A_159] : memref<4194304xf32, #tpu.memory_space<hbm>> -> memref<16384xf32, #tpu.memory_space<hbm>>
    %dma_wait3A_165 = tpu.memref_slice %arg3[%add3A_159] : memref<4194304xf32, #tpu.memory_space<hbm>> -> memref<16384xf32, #tpu.memory_space<hbm>>
    %dma_wait3A_166 = arith.constant 0 : i32
    %dma_wait3A_167 = tpu.memref_slice %arg4[%dma_wait3A_160, %dma_wait3A_166] : memref<4x16384xf32, #tpu.memory_space<vmem>> -> memref<1x16384xf32, #tpu.memory_space<vmem>>
    %dma_wait3A_168 = tpu.memref_squeeze %dma_wait3A_167 : memref<1x16384xf32, #tpu.memory_space<vmem>> -> memref<16384xf32, #tpu.memory_space<vmem>>
    tpu.wait_dma2 semaphore(%arg10 : memref<!tpu.dma_semaphore, #tpu.memory_space<semaphore_mem>>) src(%dma_wait3A_168 : memref<16384xf32, #tpu.memory_space<vmem>>) dst(%dma_wait3A_165 : memref<16384xf32, #tpu.memory_space<hbm>>)
    %add3A_169 = arith.constant 81920 : i32
    %add3A_170 = arith.addi %add3A_5, %add3A_169 : i32
    %dma_start3A_171 = arith.constant 1 : i32
    %dma_start3A_172 = arith.constant 0 : i32
    %dma_start3A_173 = tpu.memref_slice %arg4[%dma_start3A_171, %dma_start3A_172] : memref<4x16384xf32, #tpu.memory_space<vmem>> -> memref<1x16384xf32, #tpu.memory_space<vmem>>
    %dma_start3A_174 = tpu.memref_squeeze %dma_start3A_173 : memref<1x16384xf32, #tpu.memory_space<vmem>> -> memref<16384xf32, #tpu.memory_space<vmem>>
    %dma_start3A_175 = tpu.memref_slice %arg2[%add3A_170] : memref<6291456xf32, #tpu.memory_space<hbm>> -> memref<16384xf32, #tpu.memory_space<hbm>>
    %dma_start3A_176 = arith.constant 0 : i32
    %dma_start3A_177 = tpu.memref_slice %arg4[%dma_start3A_171, %dma_start3A_176] : memref<4x16384xf32, #tpu.memory_space<vmem>> -> memref<1x16384xf32, #tpu.memory_space<vmem>>
    %dma_start3A_178 = tpu.memref_squeeze %dma_start3A_177 : memref<1x16384xf32, #tpu.memory_space<vmem>> -> memref<16384xf32, #tpu.memory_space<vmem>>
    %dma_start3A_179 = tpu.memref_slice %arg2[%add3A_170] : memref<6291456xf32, #tpu.memory_space<hbm>> -> memref<16384xf32, #tpu.memory_space<hbm>>
    tpu.enqueue_dma source(%dma_start3A_179 : memref<16384xf32, #tpu.memory_space<hbm>>) target(%dma_start3A_178 : memref<16384xf32, #tpu.memory_space<vmem>>) target_semaphore(%arg6 : memref<!tpu.dma_semaphore, #tpu.memory_space<semaphore_mem>>)
    %add3A_180 = arith.constant 65536 : i32
    %add3A_181 = arith.addi %add3A_5, %add3A_180 : i32
    %dma_wait3A_182 = arith.constant 0 : i32
    %dma_wait3A_183 = arith.constant 0 : i32
    %dma_wait3A_184 = tpu.memref_slice %arg4[%dma_wait3A_182, %dma_wait3A_183] : memref<4x16384xf32, #tpu.memory_space<vmem>> -> memref<1x16384xf32, #tpu.memory_space<vmem>>
    %dma_wait3A_185 = tpu.memref_squeeze %dma_wait3A_184 : memref<1x16384xf32, #tpu.memory_space<vmem>> -> memref<16384xf32, #tpu.memory_space<vmem>>
    %dma_wait3A_186 = tpu.memref_slice %arg2[%add3A_181] : memref<6291456xf32, #tpu.memory_space<hbm>> -> memref<16384xf32, #tpu.memory_space<hbm>>
    %dma_wait3A_187 = arith.constant 0 : i32
    %dma_wait3A_188 = tpu.memref_slice %arg4[%dma_wait3A_182, %dma_wait3A_187] : memref<4x16384xf32, #tpu.memory_space<vmem>> -> memref<1x16384xf32, #tpu.memory_space<vmem>>
    %dma_wait3A_189 = tpu.memref_squeeze %dma_wait3A_188 : memref<1x16384xf32, #tpu.memory_space<vmem>> -> memref<16384xf32, #tpu.memory_space<vmem>>
    %dma_wait3A_190 = tpu.memref_slice %arg2[%add3A_181] : memref<6291456xf32, #tpu.memory_space<hbm>> -> memref<16384xf32, #tpu.memory_space<hbm>>
    tpu.wait_dma2 semaphore(%arg5 : memref<!tpu.dma_semaphore, #tpu.memory_space<semaphore_mem>>) src(%dma_wait3A_190 : memref<16384xf32, #tpu.memory_space<hbm>>) dst(%dma_wait3A_189 : memref<16384xf32, #tpu.memory_space<vmem>>)
    %add3A_191 = arith.constant 65536 : i32
    %add3A_192 = arith.addi %mul3A_2, %add3A_191 : i32
    %dma_start3A_193 = arith.constant 0 : i32
    %dma_start3A_194 = arith.constant 0 : i32
    %dma_start3A_195 = tpu.memref_slice %arg4[%dma_start3A_193, %dma_start3A_194] : memref<4x16384xf32, #tpu.memory_space<vmem>> -> memref<1x16384xf32, #tpu.memory_space<vmem>>
    %dma_start3A_196 = tpu.memref_squeeze %dma_start3A_195 : memref<1x16384xf32, #tpu.memory_space<vmem>> -> memref<16384xf32, #tpu.memory_space<vmem>>
    %dma_start3A_197 = tpu.memref_slice %arg3[%add3A_192] : memref<4194304xf32, #tpu.memory_space<hbm>> -> memref<16384xf32, #tpu.memory_space<hbm>>
    %dma_start3A_198 = tpu.memref_slice %arg3[%add3A_192] : memref<4194304xf32, #tpu.memory_space<hbm>> -> memref<16384xf32, #tpu.memory_space<hbm>>
    %dma_start3A_199 = arith.constant 0 : i32
    %dma_start3A_200 = tpu.memref_slice %arg4[%dma_start3A_193, %dma_start3A_199] : memref<4x16384xf32, #tpu.memory_space<vmem>> -> memref<1x16384xf32, #tpu.memory_space<vmem>>
    %dma_start3A_201 = tpu.memref_squeeze %dma_start3A_200 : memref<1x16384xf32, #tpu.memory_space<vmem>> -> memref<16384xf32, #tpu.memory_space<vmem>>
    tpu.enqueue_dma source(%dma_start3A_201 : memref<16384xf32, #tpu.memory_space<vmem>>) target(%dma_start3A_198 : memref<16384xf32, #tpu.memory_space<hbm>>) target_semaphore(%arg9 : memref<!tpu.dma_semaphore, #tpu.memory_space<semaphore_mem>>)
    %add3A_202 = arith.constant 32768 : i32
    %add3A_203 = arith.addi %mul3A_2, %add3A_202 : i32
    %dma_wait3A_204 = arith.constant 2 : i32
    %dma_wait3A_205 = arith.constant 0 : i32
    %dma_wait3A_206 = tpu.memref_slice %arg4[%dma_wait3A_204, %dma_wait3A_205] : memref<4x16384xf32, #tpu.memory_space<vmem>> -> memref<1x16384xf32, #tpu.memory_space<vmem>>
    %dma_wait3A_207 = tpu.memref_squeeze %dma_wait3A_206 : memref<1x16384xf32, #tpu.memory_space<vmem>> -> memref<16384xf32, #tpu.memory_space<vmem>>
    %dma_wait3A_208 = tpu.memref_slice %arg3[%add3A_203] : memref<4194304xf32, #tpu.memory_space<hbm>> -> memref<16384xf32, #tpu.memory_space<hbm>>
    %dma_wait3A_209 = tpu.memref_slice %arg3[%add3A_203] : memref<4194304xf32, #tpu.memory_space<hbm>> -> memref<16384xf32, #tpu.memory_space<hbm>>
    %dma_wait3A_210 = arith.constant 0 : i32
    %dma_wait3A_211 = tpu.memref_slice %arg4[%dma_wait3A_204, %dma_wait3A_210] : memref<4x16384xf32, #tpu.memory_space<vmem>> -> memref<1x16384xf32, #tpu.memory_space<vmem>>
    %dma_wait3A_212 = tpu.memref_squeeze %dma_wait3A_211 : memref<1x16384xf32, #tpu.memory_space<vmem>> -> memref<16384xf32, #tpu.memory_space<vmem>>
    tpu.wait_dma2 semaphore(%arg11 : memref<!tpu.dma_semaphore, #tpu.memory_space<semaphore_mem>>) src(%dma_wait3A_212 : memref<16384xf32, #tpu.memory_space<vmem>>) dst(%dma_wait3A_209 : memref<16384xf32, #tpu.memory_space<hbm>>)
    %add3A_213 = arith.constant 98304 : i32
    %add3A_214 = arith.addi %add3A_5, %add3A_213 : i32
    %dma_start3A_215 = arith.constant 2 : i32
    %dma_start3A_216 = arith.constant 0 : i32
    %dma_start3A_217 = tpu.memref_slice %arg4[%dma_start3A_215, %dma_start3A_216] : memref<4x16384xf32, #tpu.memory_space<vmem>> -> memref<1x16384xf32, #tpu.memory_space<vmem>>
    %dma_start3A_218 = tpu.memref_squeeze %dma_start3A_217 : memref<1x16384xf32, #tpu.memory_space<vmem>> -> memref<16384xf32, #tpu.memory_space<vmem>>
    %dma_start3A_219 = tpu.memref_slice %arg2[%add3A_214] : memref<6291456xf32, #tpu.memory_space<hbm>> -> memref<16384xf32, #tpu.memory_space<hbm>>
    %dma_start3A_220 = arith.constant 0 : i32
    %dma_start3A_221 = tpu.memref_slice %arg4[%dma_start3A_215, %dma_start3A_220] : memref<4x16384xf32, #tpu.memory_space<vmem>> -> memref<1x16384xf32, #tpu.memory_space<vmem>>
    %dma_start3A_222 = tpu.memref_squeeze %dma_start3A_221 : memref<1x16384xf32, #tpu.memory_space<vmem>> -> memref<16384xf32, #tpu.memory_space<vmem>>
    %dma_start3A_223 = tpu.memref_slice %arg2[%add3A_214] : memref<6291456xf32, #tpu.memory_space<hbm>> -> memref<16384xf32, #tpu.memory_space<hbm>>
    tpu.enqueue_dma source(%dma_start3A_223 : memref<16384xf32, #tpu.memory_space<hbm>>) target(%dma_start3A_222 : memref<16384xf32, #tpu.memory_space<vmem>>) target_semaphore(%arg7 : memref<!tpu.dma_semaphore, #tpu.memory_space<semaphore_mem>>)
    %add3A_224 = arith.constant 81920 : i32
    %add3A_225 = arith.addi %add3A_5, %add3A_224 : i32
    %dma_wait3A_226 = arith.constant 1 : i32
    %dma_wait3A_227 = arith.constant 0 : i32
    %dma_wait3A_228 = tpu.memref_slice %arg4[%dma_wait3A_226, %dma_wait3A_227] : memref<4x16384xf32, #tpu.memory_space<vmem>> -> memref<1x16384xf32, #tpu.memory_space<vmem>>
    %dma_wait3A_229 = tpu.memref_squeeze %dma_wait3A_228 : memref<1x16384xf32, #tpu.memory_space<vmem>> -> memref<16384xf32, #tpu.memory_space<vmem>>
    %dma_wait3A_230 = tpu.memref_slice %arg2[%add3A_225] : memref<6291456xf32, #tpu.memory_space<hbm>> -> memref<16384xf32, #tpu.memory_space<hbm>>
    %dma_wait3A_231 = arith.constant 0 : i32
    %dma_wait3A_232 = tpu.memref_slice %arg4[%dma_wait3A_226, %dma_wait3A_231] : memref<4x16384xf32, #tpu.memory_space<vmem>> -> memref<1x16384xf32, #tpu.memory_space<vmem>>
    %dma_wait3A_233 = tpu.memref_squeeze %dma_wait3A_232 : memref<1x16384xf32, #tpu.memory_space<vmem>> -> memref<16384xf32, #tpu.memory_space<vmem>>
    %dma_wait3A_234 = tpu.memref_slice %arg2[%add3A_225] : memref<6291456xf32, #tpu.memory_space<hbm>> -> memref<16384xf32, #tpu.memory_space<hbm>>
    tpu.wait_dma2 semaphore(%arg6 : memref<!tpu.dma_semaphore, #tpu.memory_space<semaphore_mem>>) src(%dma_wait3A_234 : memref<16384xf32, #tpu.memory_space<hbm>>) dst(%dma_wait3A_233 : memref<16384xf32, #tpu.memory_space<vmem>>)
    %add3A_235 = arith.constant 81920 : i32
    %add3A_236 = arith.addi %mul3A_2, %add3A_235 : i32
    %dma_start3A_237 = arith.constant 1 : i32
    %dma_start3A_238 = arith.constant 0 : i32
    %dma_start3A_239 = tpu.memref_slice %arg4[%dma_start3A_237, %dma_start3A_238] : memref<4x16384xf32, #tpu.memory_space<vmem>> -> memref<1x16384xf32, #tpu.memory_space<vmem>>
    %dma_start3A_240 = tpu.memref_squeeze %dma_start3A_239 : memref<1x16384xf32, #tpu.memory_space<vmem>> -> memref<16384xf32, #tpu.memory_space<vmem>>
    %dma_start3A_241 = tpu.memref_slice %arg3[%add3A_236] : memref<4194304xf32, #tpu.memory_space<hbm>> -> memref<16384xf32, #tpu.memory_space<hbm>>
    %dma_start3A_242 = tpu.memref_slice %arg3[%add3A_236] : memref<4194304xf32, #tpu.memory_space<hbm>> -> memref<16384xf32, #tpu.memory_space<hbm>>
    %dma_start3A_243 = arith.constant 0 : i32
    %dma_start3A_244 = tpu.memref_slice %arg4[%dma_start3A_237, %dma_start3A_243] : memref<4x16384xf32, #tpu.memory_space<vmem>> -> memref<1x16384xf32, #tpu.memory_space<vmem>>
    %dma_start3A_245 = tpu.memref_squeeze %dma_start3A_244 : memref<1x16384xf32, #tpu.memory_space<vmem>> -> memref<16384xf32, #tpu.memory_space<vmem>>
    tpu.enqueue_dma source(%dma_start3A_245 : memref<16384xf32, #tpu.memory_space<vmem>>) target(%dma_start3A_242 : memref<16384xf32, #tpu.memory_space<hbm>>) target_semaphore(%arg10 : memref<!tpu.dma_semaphore, #tpu.memory_space<semaphore_mem>>)
    %add3A_246 = arith.constant 49152 : i32
    %add3A_247 = arith.addi %mul3A_2, %add3A_246 : i32
    %dma_wait3A_248 = arith.constant 3 : i32
    %dma_wait3A_249 = arith.constant 0 : i32
    %dma_wait3A_250 = tpu.memref_slice %arg4[%dma_wait3A_248, %dma_wait3A_249] : memref<4x16384xf32, #tpu.memory_space<vmem>> -> memref<1x16384xf32, #tpu.memory_space<vmem>>
    %dma_wait3A_251 = tpu.memref_squeeze %dma_wait3A_250 : memref<1x16384xf32, #tpu.memory_space<vmem>> -> memref<16384xf32, #tpu.memory_space<vmem>>
    %dma_wait3A_252 = tpu.memref_slice %arg3[%add3A_247] : memref<4194304xf32, #tpu.memory_space<hbm>> -> memref<16384xf32, #tpu.memory_space<hbm>>
    %dma_wait3A_253 = tpu.memref_slice %arg3[%add3A_247] : memref<4194304xf32, #tpu.memory_space<hbm>> -> memref<16384xf32, #tpu.memory_space<hbm>>
    %dma_wait3A_254 = arith.constant 0 : i32
    %dma_wait3A_255 = tpu.memref_slice %arg4[%dma_wait3A_248, %dma_wait3A_254] : memref<4x16384xf32, #tpu.memory_space<vmem>> -> memref<1x16384xf32, #tpu.memory_space<vmem>>
    %dma_wait3A_256 = tpu.memref_squeeze %dma_wait3A_255 : memref<1x16384xf32, #tpu.memory_space<vmem>> -> memref<16384xf32, #tpu.memory_space<vmem>>
    tpu.wait_dma2 semaphore(%arg12 : memref<!tpu.dma_semaphore, #tpu.memory_space<semaphore_mem>>) src(%dma_wait3A_256 : memref<16384xf32, #tpu.memory_space<vmem>>) dst(%dma_wait3A_253 : memref<16384xf32, #tpu.memory_space<hbm>>)
    %add3A_257 = arith.constant 114688 : i32
    %add3A_258 = arith.addi %add3A_5, %add3A_257 : i32
    %dma_start3A_259 = arith.constant 3 : i32
    %dma_start3A_260 = arith.constant 0 : i32
    %dma_start3A_261 = tpu.memref_slice %arg4[%dma_start3A_259, %dma_start3A_260] : memref<4x16384xf32, #tpu.memory_space<vmem>> -> memref<1x16384xf32, #tpu.memory_space<vmem>>
    %dma_start3A_262 = tpu.memref_squeeze %dma_start3A_261 : memref<1x16384xf32, #tpu.memory_space<vmem>> -> memref<16384xf32, #tpu.memory_space<vmem>>
    %dma_start3A_263 = tpu.memref_slice %arg2[%add3A_258] : memref<6291456xf32, #tpu.memory_space<hbm>> -> memref<16384xf32, #tpu.memory_space<hbm>>
    %dma_start3A_264 = arith.constant 0 : i32
    %dma_start3A_265 = tpu.memref_slice %arg4[%dma_start3A_259, %dma_start3A_264] : memref<4x16384xf32, #tpu.memory_space<vmem>> -> memref<1x16384xf32, #tpu.memory_space<vmem>>
    %dma_start3A_266 = tpu.memref_squeeze %dma_start3A_265 : memref<1x16384xf32, #tpu.memory_space<vmem>> -> memref<16384xf32, #tpu.memory_space<vmem>>
    %dma_start3A_267 = tpu.memref_slice %arg2[%add3A_258] : memref<6291456xf32, #tpu.memory_space<hbm>> -> memref<16384xf32, #tpu.memory_space<hbm>>
    tpu.enqueue_dma source(%dma_start3A_267 : memref<16384xf32, #tpu.memory_space<hbm>>) target(%dma_start3A_266 : memref<16384xf32, #tpu.memory_space<vmem>>) target_semaphore(%arg8 : memref<!tpu.dma_semaphore, #tpu.memory_space<semaphore_mem>>)
    %add3A_268 = arith.constant 98304 : i32
    %add3A_269 = arith.addi %add3A_5, %add3A_268 : i32
    %dma_wait3A_270 = arith.constant 2 : i32
    %dma_wait3A_271 = arith.constant 0 : i32
    %dma_wait3A_272 = tpu.memref_slice %arg4[%dma_wait3A_270, %dma_wait3A_271] : memref<4x16384xf32, #tpu.memory_space<vmem>> -> memref<1x16384xf32, #tpu.memory_space<vmem>>
    %dma_wait3A_273 = tpu.memref_squeeze %dma_wait3A_272 : memref<1x16384xf32, #tpu.memory_space<vmem>> -> memref<16384xf32, #tpu.memory_space<vmem>>
    %dma_wait3A_274 = tpu.memref_slice %arg2[%add3A_269] : memref<6291456xf32, #tpu.memory_space<hbm>> -> memref<16384xf32, #tpu.memory_space<hbm>>
    %dma_wait3A_275 = arith.constant 0 : i32
    %dma_wait3A_276 = tpu.memref_slice %arg4[%dma_wait3A_270, %dma_wait3A_275] : memref<4x16384xf32, #tpu.memory_space<vmem>> -> memref<1x16384xf32, #tpu.memory_space<vmem>>
    %dma_wait3A_277 = tpu.memref_squeeze %dma_wait3A_276 : memref<1x16384xf32, #tpu.memory_space<vmem>> -> memref<16384xf32, #tpu.memory_space<vmem>>
    %dma_wait3A_278 = tpu.memref_slice %arg2[%add3A_269] : memref<6291456xf32, #tpu.memory_space<hbm>> -> memref<16384xf32, #tpu.memory_space<hbm>>
    tpu.wait_dma2 semaphore(%arg7 : memref<!tpu.dma_semaphore, #tpu.memory_space<semaphore_mem>>) src(%dma_wait3A_278 : memref<16384xf32, #tpu.memory_space<hbm>>) dst(%dma_wait3A_277 : memref<16384xf32, #tpu.memory_space<vmem>>)
    %add3A_279 = arith.constant 98304 : i32
    %add3A_280 = arith.addi %mul3A_2, %add3A_279 : i32
    %dma_start3A_281 = arith.constant 2 : i32
    %dma_start3A_282 = arith.constant 0 : i32
    %dma_start3A_283 = tpu.memref_slice %arg4[%dma_start3A_281, %dma_start3A_282] : memref<4x16384xf32, #tpu.memory_space<vmem>> -> memref<1x16384xf32, #tpu.memory_space<vmem>>
    %dma_start3A_284 = tpu.memref_squeeze %dma_start3A_283 : memref<1x16384xf32, #tpu.memory_space<vmem>> -> memref<16384xf32, #tpu.memory_space<vmem>>
    %dma_start3A_285 = tpu.memref_slice %arg3[%add3A_280] : memref<4194304xf32, #tpu.memory_space<hbm>> -> memref<16384xf32, #tpu.memory_space<hbm>>
    %dma_start3A_286 = tpu.memref_slice %arg3[%add3A_280] : memref<4194304xf32, #tpu.memory_space<hbm>> -> memref<16384xf32, #tpu.memory_space<hbm>>
    %dma_start3A_287 = arith.constant 0 : i32
    %dma_start3A_288 = tpu.memref_slice %arg4[%dma_start3A_281, %dma_start3A_287] : memref<4x16384xf32, #tpu.memory_space<vmem>> -> memref<1x16384xf32, #tpu.memory_space<vmem>>
    %dma_start3A_289 = tpu.memref_squeeze %dma_start3A_288 : memref<1x16384xf32, #tpu.memory_space<vmem>> -> memref<16384xf32, #tpu.memory_space<vmem>>
    tpu.enqueue_dma source(%dma_start3A_289 : memref<16384xf32, #tpu.memory_space<vmem>>) target(%dma_start3A_286 : memref<16384xf32, #tpu.memory_space<hbm>>) target_semaphore(%arg11 : memref<!tpu.dma_semaphore, #tpu.memory_space<semaphore_mem>>)
    %add3A_290 = arith.constant 114688 : i32
    %add3A_291 = arith.addi %add3A_5, %add3A_290 : i32
    %dma_wait3A_292 = arith.constant 3 : i32
    %dma_wait3A_293 = arith.constant 0 : i32
    %dma_wait3A_294 = tpu.memref_slice %arg4[%dma_wait3A_292, %dma_wait3A_293] : memref<4x16384xf32, #tpu.memory_space<vmem>> -> memref<1x16384xf32, #tpu.memory_space<vmem>>
    %dma_wait3A_295 = tpu.memref_squeeze %dma_wait3A_294 : memref<1x16384xf32, #tpu.memory_space<vmem>> -> memref<16384xf32, #tpu.memory_space<vmem>>
    %dma_wait3A_296 = tpu.memref_slice %arg2[%add3A_291] : memref<6291456xf32, #tpu.memory_space<hbm>> -> memref<16384xf32, #tpu.memory_space<hbm>>
    %dma_wait3A_297 = arith.constant 0 : i32
    %dma_wait3A_298 = tpu.memref_slice %arg4[%dma_wait3A_292, %dma_wait3A_297] : memref<4x16384xf32, #tpu.memory_space<vmem>> -> memref<1x16384xf32, #tpu.memory_space<vmem>>
    %dma_wait3A_299 = tpu.memref_squeeze %dma_wait3A_298 : memref<1x16384xf32, #tpu.memory_space<vmem>> -> memref<16384xf32, #tpu.memory_space<vmem>>
    %dma_wait3A_300 = tpu.memref_slice %arg2[%add3A_291] : memref<6291456xf32, #tpu.memory_space<hbm>> -> memref<16384xf32, #tpu.memory_space<hbm>>
    tpu.wait_dma2 semaphore(%arg8 : memref<!tpu.dma_semaphore, #tpu.memory_space<semaphore_mem>>) src(%dma_wait3A_300 : memref<16384xf32, #tpu.memory_space<hbm>>) dst(%dma_wait3A_299 : memref<16384xf32, #tpu.memory_space<vmem>>)
    %add3A_301 = arith.constant 114688 : i32
    %add3A_302 = arith.addi %mul3A_2, %add3A_301 : i32
    %dma_start3A_303 = arith.constant 3 : i32
    %dma_start3A_304 = arith.constant 0 : i32
    %dma_start3A_305 = tpu.memref_slice %arg4[%dma_start3A_303, %dma_start3A_304] : memref<4x16384xf32, #tpu.memory_space<vmem>> -> memref<1x16384xf32, #tpu.memory_space<vmem>>
    %dma_start3A_306 = tpu.memref_squeeze %dma_start3A_305 : memref<1x16384xf32, #tpu.memory_space<vmem>> -> memref<16384xf32, #tpu.memory_space<vmem>>
    %dma_start3A_307 = tpu.memref_slice %arg3[%add3A_302] : memref<4194304xf32, #tpu.memory_space<hbm>> -> memref<16384xf32, #tpu.memory_space<hbm>>
    %dma_start3A_308 = tpu.memref_slice %arg3[%add3A_302] : memref<4194304xf32, #tpu.memory_space<hbm>> -> memref<16384xf32, #tpu.memory_space<hbm>>
    %dma_start3A_309 = arith.constant 0 : i32
    %dma_start3A_310 = tpu.memref_slice %arg4[%dma_start3A_303, %dma_start3A_309] : memref<4x16384xf32, #tpu.memory_space<vmem>> -> memref<1x16384xf32, #tpu.memory_space<vmem>>
    %dma_start3A_311 = tpu.memref_squeeze %dma_start3A_310 : memref<1x16384xf32, #tpu.memory_space<vmem>> -> memref<16384xf32, #tpu.memory_space<vmem>>
    tpu.enqueue_dma source(%dma_start3A_311 : memref<16384xf32, #tpu.memory_space<vmem>>) target(%dma_start3A_308 : memref<16384xf32, #tpu.memory_space<hbm>>) target_semaphore(%arg12 : memref<!tpu.dma_semaphore, #tpu.memory_space<semaphore_mem>>)
    %add3A_312 = arith.constant 65536 : i32
    %add3A_313 = arith.addi %mul3A_2, %add3A_312 : i32
    %dma_wait3A_314 = arith.constant 0 : i32
    %dma_wait3A_315 = arith.constant 0 : i32
    %dma_wait3A_316 = tpu.memref_slice %arg4[%dma_wait3A_314, %dma_wait3A_315] : memref<4x16384xf32, #tpu.memory_space<vmem>> -> memref<1x16384xf32, #tpu.memory_space<vmem>>
    %dma_wait3A_317 = tpu.memref_squeeze %dma_wait3A_316 : memref<1x16384xf32, #tpu.memory_space<vmem>> -> memref<16384xf32, #tpu.memory_space<vmem>>
    %dma_wait3A_318 = tpu.memref_slice %arg3[%add3A_313] : memref<4194304xf32, #tpu.memory_space<hbm>> -> memref<16384xf32, #tpu.memory_space<hbm>>
    %dma_wait3A_319 = tpu.memref_slice %arg3[%add3A_313] : memref<4194304xf32, #tpu.memory_space<hbm>> -> memref<16384xf32, #tpu.memory_space<hbm>>
    %dma_wait3A_320 = arith.constant 0 : i32
    %dma_wait3A_321 = tpu.memref_slice %arg4[%dma_wait3A_314, %dma_wait3A_320] : memref<4x16384xf32, #tpu.memory_space<vmem>> -> memref<1x16384xf32, #tpu.memory_space<vmem>>
    %dma_wait3A_322 = tpu.memref_squeeze %dma_wait3A_321 : memref<1x16384xf32, #tpu.memory_space<vmem>> -> memref<16384xf32, #tpu.memory_space<vmem>>
    tpu.wait_dma2 semaphore(%arg9 : memref<!tpu.dma_semaphore, #tpu.memory_space<semaphore_mem>>) src(%dma_wait3A_322 : memref<16384xf32, #tpu.memory_space<vmem>>) dst(%dma_wait3A_319 : memref<16384xf32, #tpu.memory_space<hbm>>)
    %add3A_323 = arith.constant 81920 : i32
    %add3A_324 = arith.addi %mul3A_2, %add3A_323 : i32
    %dma_wait3A_325 = arith.constant 1 : i32
    %dma_wait3A_326 = arith.constant 0 : i32
    %dma_wait3A_327 = tpu.memref_slice %arg4[%dma_wait3A_325, %dma_wait3A_326] : memref<4x16384xf32, #tpu.memory_space<vmem>> -> memref<1x16384xf32, #tpu.memory_space<vmem>>
    %dma_wait3A_328 = tpu.memref_squeeze %dma_wait3A_327 : memref<1x16384xf32, #tpu.memory_space<vmem>> -> memref<16384xf32, #tpu.memory_space<vmem>>
    %dma_wait3A_329 = tpu.memref_slice %arg3[%add3A_324] : memref<4194304xf32, #tpu.memory_space<hbm>> -> memref<16384xf32, #tpu.memory_space<hbm>>
    %dma_wait3A_330 = tpu.memref_slice %arg3[%add3A_324] : memref<4194304xf32, #tpu.memory_space<hbm>> -> memref<16384xf32, #tpu.memory_space<hbm>>
    %dma_wait3A_331 = arith.constant 0 : i32
    %dma_wait3A_332 = tpu.memref_slice %arg4[%dma_wait3A_325, %dma_wait3A_331] : memref<4x16384xf32, #tpu.memory_space<vmem>> -> memref<1x16384xf32, #tpu.memory_space<vmem>>
    %dma_wait3A_333 = tpu.memref_squeeze %dma_wait3A_332 : memref<1x16384xf32, #tpu.memory_space<vmem>> -> memref<16384xf32, #tpu.memory_space<vmem>>
    tpu.wait_dma2 semaphore(%arg10 : memref<!tpu.dma_semaphore, #tpu.memory_space<semaphore_mem>>) src(%dma_wait3A_333 : memref<16384xf32, #tpu.memory_space<vmem>>) dst(%dma_wait3A_330 : memref<16384xf32, #tpu.memory_space<hbm>>)
    %add3A_334 = arith.constant 98304 : i32
    %add3A_335 = arith.addi %mul3A_2, %add3A_334 : i32
    %dma_wait3A_336 = arith.constant 2 : i32
    %dma_wait3A_337 = arith.constant 0 : i32
    %dma_wait3A_338 = tpu.memref_slice %arg4[%dma_wait3A_336, %dma_wait3A_337] : memref<4x16384xf32, #tpu.memory_space<vmem>> -> memref<1x16384xf32, #tpu.memory_space<vmem>>
    %dma_wait3A_339 = tpu.memref_squeeze %dma_wait3A_338 : memref<1x16384xf32, #tpu.memory_space<vmem>> -> memref<16384xf32, #tpu.memory_space<vmem>>
    %dma_wait3A_340 = tpu.memref_slice %arg3[%add3A_335] : memref<4194304xf32, #tpu.memory_space<hbm>> -> memref<16384xf32, #tpu.memory_space<hbm>>
    %dma_wait3A_341 = tpu.memref_slice %arg3[%add3A_335] : memref<4194304xf32, #tpu.memory_space<hbm>> -> memref<16384xf32, #tpu.memory_space<hbm>>
    %dma_wait3A_342 = arith.constant 0 : i32
    %dma_wait3A_343 = tpu.memref_slice %arg4[%dma_wait3A_336, %dma_wait3A_342] : memref<4x16384xf32, #tpu.memory_space<vmem>> -> memref<1x16384xf32, #tpu.memory_space<vmem>>
    %dma_wait3A_344 = tpu.memref_squeeze %dma_wait3A_343 : memref<1x16384xf32, #tpu.memory_space<vmem>> -> memref<16384xf32, #tpu.memory_space<vmem>>
    tpu.wait_dma2 semaphore(%arg11 : memref<!tpu.dma_semaphore, #tpu.memory_space<semaphore_mem>>) src(%dma_wait3A_344 : memref<16384xf32, #tpu.memory_space<vmem>>) dst(%dma_wait3A_341 : memref<16384xf32, #tpu.memory_space<hbm>>)
    %add3A_345 = arith.constant 114688 : i32
    %add3A_346 = arith.addi %mul3A_2, %add3A_345 : i32
    %dma_wait3A_347 = arith.constant 3 : i32
    %dma_wait3A_348 = arith.constant 0 : i32
    %dma_wait3A_349 = tpu.memref_slice %arg4[%dma_wait3A_347, %dma_wait3A_348] : memref<4x16384xf32, #tpu.memory_space<vmem>> -> memref<1x16384xf32, #tpu.memory_space<vmem>>
    %dma_wait3A_350 = tpu.memref_squeeze %dma_wait3A_349 : memref<1x16384xf32, #tpu.memory_space<vmem>> -> memref<16384xf32, #tpu.memory_space<vmem>>
    %dma_wait3A_351 = tpu.memref_slice %arg3[%add3A_346] : memref<4194304xf32, #tpu.memory_space<hbm>> -> memref<16384xf32, #tpu.memory_space<hbm>>
    %dma_wait3A_352 = tpu.memref_slice %arg3[%add3A_346] : memref<4194304xf32, #tpu.memory_space<hbm>> -> memref<16384xf32, #tpu.memory_space<hbm>>
    %dma_wait3A_353 = arith.constant 0 : i32
    %dma_wait3A_354 = tpu.memref_slice %arg4[%dma_wait3A_347, %dma_wait3A_353] : memref<4x16384xf32, #tpu.memory_space<vmem>> -> memref<1x16384xf32, #tpu.memory_space<vmem>>
    %dma_wait3A_355 = tpu.memref_squeeze %dma_wait3A_354 : memref<1x16384xf32, #tpu.memory_space<vmem>> -> memref<16384xf32, #tpu.memory_space<vmem>>
    tpu.wait_dma2 semaphore(%arg12 : memref<!tpu.dma_semaphore, #tpu.memory_space<semaphore_mem>>) src(%dma_wait3A_355 : memref<16384xf32, #tpu.memory_space<vmem>>) dst(%dma_wait3A_352 : memref<16384xf32, #tpu.memory_space<hbm>>)
    return
  }
}

</mosaic_0001>

<sc_bundles>
// kernel: kernel.3.cloned.1.call-start
scs
__scs_entry_jumppad:
0x0: {  	(pc) =	sbr.rel $0x88, $3  }
0x1: {  	(tag) =	ssettag $0x0;
	lr =	simm.s32 $0x1  }
0x2: {  	[smem:$0x3FA0] =	sst lr;
	_ =	strace $0xD0000000  }
0x3: {  	_ = 	snop  }
0x4: {  	_ = 	snop  }
0x5: {  	_ = 	snop  }
0x6: {  	_ = 	snop  }
0x7: {  	_ = 	snop  }
__scs_overlays_trampoline_lowered:
0x8: {  	[smem:$0x3FAF] =	sst s0  }
0x9: {  	[smem:$0x3FB0] =	sst s1  }
0xa: {  	[smem:$0x3FB1] =	sst s2  }
0xb: {  	[smem:$0x3FB2] =	sst s3  }
0xc: {  	[smem:$0x3FB3] =	sst s4  }
0xd: {  	[smem:$0x3FB4] =	sst s5  }
0xe: {  	[smem:$0x3FB5] =	sst s6  }
0xf: {  	[smem:$0x3FB6] =	sst s7  }
0x10: {  	[smem:$0x3FB7] =	sst s8  }
0x11: {  	[smem:$0x3FB8] =	sst s9;
	s0 =	simm.s32 @!p0 $0x0  }
0x12: {  	s1 =	sld [smem:$0x3F9E];
	s0 =	simm.s32 @p0 $0x1  }
0x13: {  	[smem:$0x3FB9] =	sst s0;
	s0 =	simm.s32 @!p1 $0x0  }
0x14: {  	s2 =	sld [smem:$0x3F9D];
	s0 =	simm.s32 @p1 $0x1  }
0x15: {  	[smem:$0x3FBA] =	sst s0;
	s0 =	simm.s32 @!p2 $0x0  }
0x16: {  	s3 =	sld [smem:$0x3FDB];
	s0 =	simm.s32 @p2 $0x1  }
0x17: {  	s4 =	simm.s32 $0x1BF5;
	[smem:$0x3FBC] =	sst s0  }
0x18: {  	s0 =	sld [smem:$0x3F9F];
	_ =	swait.ge [sflag:s4], $0x0  }
0x19: {  	s7 =	sld [smem:$0x3FA0]  }
0x1a: {  	s8 =	sadd.s32 $0xFFFFE003, lr  }
0x1b: {  	s9 =	sadd.s32 $0xFFFFFEF7, lr;
	s5 =	simm.s32 $0xFFFFFFFF;
	p2 =	slt.u32 s8, $0xFFFFF086  }
0x1c: {  	p1 =	slt.u32 s9, $0xF7A;
	s5 =	simm.s32 @!p2 $0x0  }
0x1d: {  	s5 =	simm.s32 @p1 $0x1;
	p0 =	seq.s32 s7, s2  }
0x1e: {  	s7 =	smul.u32 @!p0 $0xF7A, s2;
	p2 =	seq.s32 @!p0 s5, $0x0  }
0x1f: {  	s9 =	smul.u32 $0xF7A, s1;
	s8 =	simm.s32 @!p0 $0x1BF5;
	p2 =	por !p2, p0  }
0x20: {  	[sflag:s8] =	ssyncset.s32 @!p0 $0xFFFFF086;
	s6 =	sadd.s32 @!p0 s3, s7;
	s7 =	simm.s32 @!p0 $0x108  }
0x21: {  	s3 =	sadd.s32 s3, s9;
	s6 =	sadd.s32 @!p0 $0x88, s6;
	s7 =	simm.s32 @p2 $0x1082  }
0x22: {  	[simem:s7], [sflag:s8] =	dma.local @!p0 [hbm:s6], $0xF7A  }
0x23: {  	s9 =	sor.u32 $0xD0000000, s2;
	s6 =	simm.s32 $0x108;
	_ =	swait.ge @!p0 [sflag:s8], $0x0  }
0x24: {  	s3 =	sadd.s32 $0x88, s3;
	s6 =	simm.s32 @!p1 $0x1082;
	[sflag:s4] =	ssyncset.s32 $0xFFFFF086  }
0x25: {  	[simem:s6], [sflag:s4] =	dma.local [hbm:s3], $0xF7A  }
0x26: {  	[smem:$0x3FA0] =	sst s1;
	(tag) =	ssettag s2;
	_ =	strace s9  }
0x27: {  	s1 =	sld [smem:$0x3FB0]  }
0x28: {  	s2 =	sld [smem:$0x3FB1]  }
0x29: {  	s4 =	sld [smem:$0x3FB3]  }
0x2a: {  	p0 =	seq.s32 s5, $0x0;
	s5 =	sld [smem:$0x3FB4]  }
0x2b: {  	s6 =	sld [smem:$0x3FB5]  }
0x2c: {  	s7 =	sld [smem:$0x3FB6]  }
0x2d: {  	s3 =	simm.s32 $0x108;
	s8 =	sld [smem:$0x3FB7]  }
0x2e: {  	s3 =	simm.s32 @!p0 $0x1082;
	s9 =	sld [smem:$0x3FB8]  }
0x2f: {  	lr =	sadd.s32 s0, s3;
	s0 =	sld [smem:$0x3FAF]  }
0x30: {  	s3 =	sld [smem:$0x3FB2]  }
0x31: {  	[smem:$0x3FBB] =	sst s10  }
0x32: {  	s10 =	sld [smem:$0x3FB9];
	_ =	sdelay $0x3  }
0x33: {  	p0 =	seq.s32 s10, $0x1;
	s10 =	sld [smem:$0x3FBB];
	_ =	sdelay $0x3  }
0x34: {  	[smem:$0x3FBB] =	sst s10  }
0x35: {  	s10 =	sld [smem:$0x3FBA];
	_ =	sdelay $0x3  }
0x36: {  	p1 =	seq.s32 s10, $0x1;
	s10 =	sld [smem:$0x3FBB];
	_ =	sdelay $0x3  }
0x37: {  	[smem:$0x3FBB] =	sst s10  }
0x38: {  	s10 =	sld [smem:$0x3FBC]  }
0x39: {  	_ = 	snop;
	(pc) =	sbr.ind lr, $3  }
0x3a: {  	_ = 	snop  }
0x3b: {  	_ = 	snop  }
0x3c: {  	p2 =	seq.s32 s10, $0x1;
	s10 =	sld [smem:$0x3FBB]  }
0x3d: {  	_ =	shalt  }
0x3e: {  	_ =	shalt  }
0x3f: {  	_ =	shalt  }
0x40: {  	_ =	shalt  }
0x41: {  	_ =	shalt  }
0x42: {  	_ =	shalt  }
0x43: {  	_ =	shalt  }
0x44: {  	_ =	shalt  }
0x45: {  	_ =	shalt  }
0x46: {  	_ =	shalt  }
0x47: {  	_ =	shalt  }
0x48: {  	_ =	shalt  }
0x49: {  	_ =	shalt  }
0x4a: {  	_ =	shalt  }
0x4b: {  	_ =	shalt  }
0x4c: {  	_ =	shalt  }
0x4d: {  	_ =	shalt  }
0x4e: {  	_ =	shalt  }
0x4f: {  	_ =	shalt  }
0x50: {  	_ =	shalt  }
0x51: {  	_ =	shalt  }
0x52: {  	_ =	shalt  }
0x53: {  	_ =	shalt  }
0x54: {  	_ =	shalt  }
0x55: {  	_ =	shalt  }
0x56: {  	_ =	shalt  }
0x57: {  	_ =	shalt  }
0x58: {  	_ =	shalt  }
0x59: {  	_ =	shalt  }
0x5a: {  	_ =	shalt  }
0x5b: {  	_ =	shalt  }
0x5c: {  	_ =	shalt  }
0x5d: {  	_ =	shalt  }
0x5e: {  	_ =	shalt  }
0x5f: {  	_ =	shalt  }
0x60: {  	_ =	shalt  }
0x61: {  	_ =	shalt  }
0x62: {  	_ =	shalt  }
0x63: {  	_ =	shalt  }
0x64: {  	_ =	shalt  }
0x65: {  	_ =	shalt  }
0x66: {  	_ =	shalt  }
0x67: {  	_ =	shalt  }
0x68: {  	_ =	shalt  }
0x69: {  	_ =	shalt  }
0x6a: {  	_ =	shalt  }
0x6b: {  	_ =	shalt  }
0x6c: {  	_ =	shalt  }
0x6d: {  	_ =	shalt  }
0x6e: {  	_ =	shalt  }
0x6f: {  	_ =	shalt  }
0x70: {  	_ =	shalt  }
0x71: {  	_ =	shalt  }
0x72: {  	_ =	shalt  }
0x73: {  	_ =	shalt  }
0x74: {  	_ =	shalt  }
0x75: {  	_ =	shalt  }
0x76: {  	_ =	shalt  }
0x77: {  	_ =	shalt  }
0x78: {  	_ =	shalt  }
0x79: {  	_ =	shalt  }
0x7a: {  	_ =	shalt  }
0x7b: {  	_ =	shalt  }
0x7c: {  	_ =	shalt  }
0x7d: {  	_ =	shalt  }
0x7e: {  	_ =	shalt  }
0x7f: {  	_ =	shalt  }
0x80: {  	_ =	shalt  }
0x81: {  	_ =	shalt  }
0x82: {  	_ =	shalt  }
0x83: {  	_ =	shalt  }
0x84: {  	_ =	shalt  }
0x85: {  	_ =	shalt  }
0x86: {  	_ =	shalt  }
0x87: {  	_ =	shalt  }
.Lfunc_end0:
.L_simem_size_0:
called_computation_lowered:
.L_overlay_start_0:
0x88: {  	s2 =	sld [smem:$0x3FD9]  }
0x89: {  	s3 =	sld [smem:$0x3FFE];
	_ =	sdelay $0x1  }
0x8a: {  	s1 =	srdreg.scid  }
0x8b: {  	s0 =	sand.u32 $0x1, s1  }
0x8c: {  	s18 =	sshll.u32 s0, $0xA;
	s2 =	sadd.s32 s3, s2  }
0x8d: {  	s2 =	sadd.s32 s2, s18  }
0x8e: {  	[smem:$0x3FC7] =	sst s2  }
0x8f: {  	_ = 	snop  }
0x90: {  	s2 =	sld [smem:$0x3FC9]  }
0x91: {  	s19 =	sld [smem:$0x3FD0];
	(tm) =	ssettm $0x1  }
0x92: {  	s4 =	sld [smem:$0x3FFB];
	_ =	sdelay $0x3  }
0x93: {  	_ =	strace s4  }
0x94: {  	s4 =	sld [smem:$0x3FFC];
	_ =	sdelay $0x3  }
0x95: {  	_ =	strace s4  }
0x96: {  	s4 =	sld [smem:$0x3FFD];
	_ =	sdelay $0x3  }
0x97: {  	_ =	strace s4  }
0x98: {  	_ =	strace $0x8FFFFFFF  }
0x99: {  	s20 =	sld [smem:$0x3FDB];
	_ =	sdelay $0x1  }
0x9a: {  	s5 =	simm.s32 $_scs_section_size  }
0x9b: {  	s6 =	simm.s32 $_size__tile_overlayer_lowered;
	s7 =	simm.s32 $_tile_overlayer_lowered  }
0x9c: {  	s23 =	simm.s32 $0x1BFF;
	s22 =	sshll.u32 s7, $0x1;
	s4 =	sadd.s32 s5, s20  }
0x9d: {  	s8 =	simm.s32 $0x0;
	s21 =	sshll.u32 s6, $0x1;
	s6 =	sadd.s32 s22, s4  }
0x9e: {  	[timem:s8], [sflag:s23] =	dma.local [hbm:s6], s21  }
0x9f: {  	_ =	swait.ge [sflag:s23], s21  }
0xa0: {  	s5 =	ssub.s32 $0x0, s21;
	[sflag:s23] =	ssyncset.done $0x0  }
0xa1: {  	[sflag:s23] =	ssyncadd.s32 s5;
	_ =	sdelay $0x1  }
0xa2: {  	s24 =	simm.s32 $0x1B8B  }
0xa3: {  	_ =	swait.ge [sflag:s24], $0x1  }
0xa4: {  	[sflag:s24] =	ssyncset.done $0x0  }
0xa5: {  	s25 =	simm.s32 $0x1B8E;
	[sflag:s24] =	ssyncadd.s32 $0xFFFFFFFF  }
0xa6: {  	s26 =	simm.s32 $execute0_lowered;
	[smem:$0x3FD2] =	sst s25  }
0xa7: {  	s5 =	sshll.u32 s26, $0x1;
	_ =	strace $0x80000046;
	[dreg:$0x1] =	wrdreg $0xFFFFFFFF  }
0xa8: {  	s28 =	simm.s32 $_size_execute0_lowered;
	s4 =	sadd.s32 s4, s5;
	[dreg:$0x0] =	wrdreg $0x0  }
0xa9: {  	s5 =	sshll.u32 s28, $0x1;
	[dreg:$0x2] =	wrdreg s4  }
0xaa: {  	[dreg:$0x3] =	wrdreg s5  }
0xab: {  	[dreg:$0x4] =	wrdreg $0xC0  }
0xac: {  	_ =	task [dreg:s8], $0x5FFFF  }
0xad: {  	[dreg:$0x1] =	wrdreg $0xFFFFFFFF  }
0xae: {  	[dreg:$0x0] =	wrdreg $0x60  }
0xaf: {  	[dreg:$0x2] =	wrdreg s2  }
0xb0: {  	[dreg:$0x3] =	wrdreg s19  }
0xb1: {  	[dreg:$0x4] =	wrdreg $0x9  }
0xb2: {  	_ =	task.clear_ibuf [dreg:s8], $0x5FFFF;
	_ =	strace $0x90000046  }
0xb3: {  	s29 =	simm.s32 $0x9;
	_ =	strace $0x80000048  }
0xb4: {  	_ =	swait.ge [sflag:s29], $0x1  }
0xb5: {  	[sflag:s29] =	ssyncadd.s32 $0xFFFFFFFF  }
0xb6: {  	_ =	strace $0x90000048  }
0xb7: {  	_ =	sfence  }
0xb8: {  	s30 =	sld [smem:$0x0];
	_ =	sdelay $0x2  }
0xb9: {  	s31 =	sshll.u32 s1, $0xD;
	s1 =	sshrl.u32 s1, $0x2  }
0xba: {  	s3 =	sand.u32 $0x4000, s31;
	s1 =	sadd.s32 s1, s30  }
0xbb: {  	s0 =	sor.u32 s3, s0;
	s1 =	sshll.u32 s1, $0x11  }
0xbc: {  	s0 =	sor.u32 s1, s0  }
0xbd: {  	s0 =	sadd.s32 $0x8F2B, s0  }
0xbe: {  	[sflag:s0] =	ssyncadd.remote.s32 $0x1  }
0xbf: {  	_ =	sfence.sel $0xFFFF  }
0xc0: {  	[dreg:$0x0] =	wrdreg $0xFFFFFFFF;
	(pc) =	sbr.abs _section_cstart, $3  }
0xc1: {  	[dreg:$0x1] =	wrdreg $0xFFFFFFFF  }
0xc2: {  	_ =	task.clear_ibuf [dreg:s8], $0x2FFFF;
	_ =	strace $0x9FFFFFFF  }
0xc3: {  	(tm) =	ssettm $0x7FFFFFFF  }
tec
execute0_lowered:
.L_overlay_start_1:
0x0: {  	(tag) =	ssettag $0x1  }
0x1: {  	s0 =	rddreg [dreg:$0x0]  }
0x2: {  	s1 =	rddreg [dreg:$0x1]  }
0x3: {  	s3 =	srdreg.scid;
	s6 =	stileid.u32  }
0x4: {  	s2 =	simm.s32 $0x0;
	s20 =	simm.s32 $0x1;
	s21 =	simm.s32 $0x2  }
0x5: {  	s22 =	simm.s32 $0x3;
	s23 =	simm.s32 $0x5;
	s24 =	simm.s32 $0x4  }
0x6: {  	s25 =	simm.s32 $0x6;
	s26 =	simm.s32 $0x7;
	s28 =	simm.s32 $0x8  }
0x7: {  	s29 =	simm.s32 $0x0;
	s3 =	sand.u32 $0x1, s3;
	s4 =	sshll.u32 s6, $0x12  }
0x8: {  	p0 =	slt.u32 s6, $0x8;
	s6 =	simm.s32 $0x400000;
	[smem:$0x7FF] =	sst s2  }
0x9: {  	s5 =	sshll.u32 s3, $0x11;
	s6 =	simm.s32 @!p0 $0x0;
	s3 =	ssub.s32 $0x2, s3  }
0xa: {  	_ =	strace $0x80000047;
	s4 =	sor.u32 s5, s4;
	s31 =	sshrl.u32 s3, $0x1  }
0xb: {  	s5 =	sor.u32 s6, s4;
	s4 =	sshrl.u32 s4, $0x3;
	s19 =	ssub.s32 s3, s31  }
0xc: {  	s5 =	sshrl.u32 s5, $0x3;
	s4 =	sadd.s32 s1, s4;
	s19 =	smax.u32 s19, $0x1  }
0xd: {  	s3 =	sadd.s32 s0, s5;
	s7 =	sadd.s32 $0x800, s4;
	s9 =	sadd.s32 $0x1000, s4  }
0xe: {  	s11 =	sadd.s32 $0x1800, s4;
	s13 =	sadd.s32 $0x2000, s4;
	s15 =	sadd.s32 $0x2800, s4  }
0xf: {  	s17 =	sadd.s32 $0x3000, s4;
	s18 =	sadd.s32 $0x3800, s4;
	s5 =	sadd.s32 $0x800, s3  }
0x10: {  	s6 =	sadd.s32 $0x1000, s3;
	s8 =	sadd.s32 $0x1800, s3;
	s10 =	sadd.s32 $0x2000, s3  }
0x11: {  	s12 =	sadd.s32 $0x2800, s3;
	s14 =	sadd.s32 $0x3000, s3;
	s16 =	sadd.s32 $0x3800, s3  }
.LBB2_1:
0x12: {  	s30 =	simm.s32 $0x10  }
0x13: {  	s1 =	sadd.s32 $0x0, s3;
	s31 =	simm.s32 $0x200;
	s0 =	simm.s32 $0x0  }
.LBB2_2:
0x14: {  	[tilespmem:s0], [sflag:$0x1] =	stream.linear.gather [hbm4b:s1+s2], $0x80, $0x38;
	[tilespmem:$0x10000] =	vst v63  }
0x15: {  	s1 =	smov.u32 s30;
	s0 =	smov.u32 s31;
	p0 =	sne.s32 s30, $0x7F0  }
.Ltmp0:
0x16: {  	s30 =	sadd.s32 $0x10, s30;
	(pc) =	sbr.rel @p0 .LBB2_2-.Ltmp0, $2  }
0x17: {  	_ =	sdelay $0x2  }
0x18: {  	s31 =	sadd.s32 $0x200, s31;
	s1 =	sadd.s32 s1, s3  }
0x19: {  	[tilespmem:s0], [sflag:$0x1] =	stream.linear.gather [hbm4b:s1+s2], $0x80, $0x38;
	[tilespmem:$0x10000] =	vst v63  }
0x1a: {  	s30 =	simm.s32 $0x80  }
0x1b: {  	s31 =	simm.s32 $0x10;
	s1 =	sadd.s32 $0x0, s5;
	s0 =	simm.s32 $0x280  }
.LBB2_4:
0x1c: {  	[tilespmem:s30], [sflag:$0x2] =	stream.linear.gather [hbm4b:s1+s2], $0x80, $0x38;
	[tilespmem:$0x10000] =	vst v63  }
0x1d: {  	s1 =	smov.u32 s31;
	s30 =	smov.u32 s0;
	p0 =	sne.s32 s31, $0x7F0  }
.Ltmp1:
0x1e: {  	s31 =	sadd.s32 $0x10, s31;
	(pc) =	sbr.rel @p0 .LBB2_4-.Ltmp1, $2  }
0x1f: {  	_ =	sdelay $0x2  }
0x20: {  	s0 =	sadd.s32 $0x200, s0;
	s1 =	sadd.s32 s1, s5  }
0x21: {  	[tilespmem:s30], [sflag:$0x2] =	stream.linear.gather [hbm4b:s1+s2], $0x80, $0x38;
	[tilespmem:$0x10000] =	vst v63  }
0x22: {  	_ =	swait.ge [sflag:s20], $0x4000  }
0x23: {  	s30 =	simm.s32 $0x0;
	s31 =	simm.s32 $0x10;
	[sflag:s20] =	ssyncset.done $0x0  }
0x24: {  	s1 =	sadd.s32 $0x0, s4;
	s0 =	simm.s32 $0x200;
	[sflag:s20] =	ssyncadd.s32 $0xFFFFC000  }
.LBB2_6:
0x25: {  	[hbm4b:s1+s2] =	stream.linear.scatter [tilespmem:s30], [sflag:$0x5], $0x80, $0x38;
	[tilespmem:$0x10000] =	vst v63  }
0x26: {  	s1 =	smov.u32 s31;
	s30 =	smov.u32 s0;
	p0 =	sne.s32 s31, $0x7F0  }
.Ltmp2:
0x27: {  	s31 =	sadd.s32 $0x10, s31;
	(pc) =	sbr.rel @p0 .LBB2_6-.Ltmp2, $2  }
0x28: {  	_ =	sdelay $0x2  }
0x29: {  	s0 =	sadd.s32 $0x200, s0;
	s1 =	sadd.s32 s1, s4  }
0x2a: {  	[hbm4b:s1+s2] =	stream.linear.scatter [tilespmem:s30], [sflag:$0x5], $0x80, $0x38;
	[tilespmem:$0x10000] =	vst v63  }
0x2b: {  	s30 =	simm.s32 $0x100  }
0x2c: {  	s31 =	simm.s32 $0x10;
	s1 =	sadd.s32 $0x0, s6;
	s0 =	simm.s32 $0x300  }
.LBB2_8:
0x2d: {  	[tilespmem:s30], [sflag:$0x3] =	stream.linear.gather [hbm4b:s1+s2], $0x80, $0x38;
	[tilespmem:$0x10000] =	vst v63  }
0x2e: {  	s1 =	smov.u32 s31;
	s30 =	smov.u32 s0;
	p0 =	sne.s32 s31, $0x7F0  }
.Ltmp3:
0x2f: {  	s31 =	sadd.s32 $0x10, s31;
	(pc) =	sbr.rel @p0 .LBB2_8-.Ltmp3, $2  }
0x30: {  	_ =	sdelay $0x2  }
0x31: {  	s0 =	sadd.s32 $0x200, s0;
	s1 =	sadd.s32 s1, s6  }
0x32: {  	[tilespmem:s30], [sflag:$0x3] =	stream.linear.gather [hbm4b:s1+s2], $0x80, $0x38;
	[tilespmem:$0x10000] =	vst v63  }
0x33: {  	_ =	swait.ge [sflag:s21], $0x4000  }
0x34: {  	s30 =	simm.s32 $0x80;
	s31 =	simm.s32 $0x10;
	[sflag:s21] =	ssyncset.done $0x0  }
0x35: {  	s1 =	sadd.s32 $0x0, s7;
	s0 =	simm.s32 $0x280;
	[sflag:s21] =	ssyncadd.s32 $0xFFFFC000  }
.LBB2_10:
0x36: {  	[hbm4b:s1+s2] =	stream.linear.scatter [tilespmem:s30], [sflag:$0x6], $0x80, $0x38;
	[tilespmem:$0x10000] =	vst v63  }
0x37: {  	s1 =	smov.u32 s31;
	s30 =	smov.u32 s0;
	p0 =	sne.s32 s31, $0x7F0  }
.Ltmp4:
0x38: {  	s31 =	sadd.s32 $0x10, s31;
	(pc) =	sbr.rel @p0 .LBB2_10-.Ltmp4, $2  }
0x39: {  	_ =	sdelay $0x2  }
0x3a: {  	s0 =	sadd.s32 $0x200, s0;
	s1 =	sadd.s32 s1, s7  }
0x3b: {  	[hbm4b:s1+s2] =	stream.linear.scatter [tilespmem:s30], [sflag:$0x6], $0x80, $0x38;
	[tilespmem:$0x10000] =	vst v63  }
0x3c: {  	s30 =	simm.s32 $0x180  }
0x3d: {  	s31 =	simm.s32 $0x10;
	s1 =	sadd.s32 $0x0, s8;
	s0 =	simm.s32 $0x380  }
.LBB2_12:
0x3e: {  	[tilespmem:s30], [sflag:$0x4] =	stream.linear.gather [hbm4b:s1+s2], $0x80, $0x38;
	[tilespmem:$0x10000] =	vst v63  }
0x3f: {  	s1 =	smov.u32 s31;
	s30 =	smov.u32 s0;
	p0 =	sne.s32 s31, $0x7F0  }
.Ltmp5:
0x40: {  	s31 =	sadd.s32 $0x10, s31;
	(pc) =	sbr.rel @p0 .LBB2_12-.Ltmp5, $2  }
0x41: {  	_ =	sdelay $0x2  }
0x42: {  	s0 =	sadd.s32 $0x200, s0;
	s1 =	sadd.s32 s1, s8  }
0x43: {  	[tilespmem:s30], [sflag:$0x4] =	stream.linear.gather [hbm4b:s1+s2], $0x80, $0x38;
	[tilespmem:$0x10000] =	vst v63  }
0x44: {  	_ =	swait.ge [sflag:s22], $0x4000  }
0x45: {  	s30 =	simm.s32 $0x100;
	s31 =	simm.s32 $0x10;
	[sflag:s22] =	ssyncset.done $0x0  }
0x46: {  	s1 =	sadd.s32 $0x0, s9;
	s0 =	simm.s32 $0x300;
	[sflag:s22] =	ssyncadd.s32 $0xFFFFC000  }
.LBB2_14:
0x47: {  	[hbm4b:s1+s2] =	stream.linear.scatter [tilespmem:s30], [sflag:$0x7], $0x80, $0x38;
	[tilespmem:$0x10000] =	vst v63  }
0x48: {  	s1 =	smov.u32 s31;
	s30 =	smov.u32 s0;
	p0 =	sne.s32 s31, $0x7F0  }
.Ltmp6:
0x49: {  	s31 =	sadd.s32 $0x10, s31;
	(pc) =	sbr.rel @p0 .LBB2_14-.Ltmp6, $2  }
0x4a: {  	_ =	sdelay $0x2  }
0x4b: {  	s0 =	sadd.s32 $0x200, s0;
	s1 =	sadd.s32 s1, s9  }
0x4c: {  	[hbm4b:s1+s2] =	stream.linear.scatter [tilespmem:s30], [sflag:$0x7], $0x80, $0x38;
	[tilespmem:$0x10000] =	vst v63  }
0x4d: {  	_ =	swait.ge [sflag:s23], $0x4000  }
0x4e: {  	s30 =	simm.s32 $0x0;
	s31 =	simm.s32 $0x10;
	[sflag:s23] =	ssyncset.done $0x0  }
0x4f: {  	s1 =	sadd.s32 $0x0, s10;
	s0 =	simm.s32 $0x200;
	[sflag:s23] =	ssyncadd.s32 $0xFFFFC000  }
.LBB2_16:
0x50: {  	[tilespmem:s30], [sflag:$0x1] =	stream.linear.gather [hbm4b:s1+s2], $0x80, $0x38;
	[tilespmem:$0x10000] =	vst v63  }
0x51: {  	s1 =	smov.u32 s31;
	s30 =	smov.u32 s0;
	p0 =	sne.s32 s31, $0x7F0  }
.Ltmp7:
0x52: {  	s31 =	sadd.s32 $0x10, s31;
	(pc) =	sbr.rel @p0 .LBB2_16-.Ltmp7, $2  }
0x53: {  	_ =	sdelay $0x2  }
0x54: {  	s0 =	sadd.s32 $0x200, s0;
	s1 =	sadd.s32 s1, s10  }
0x55: {  	[tilespmem:s30], [sflag:$0x1] =	stream.linear.gather [hbm4b:s1+s2], $0x80, $0x38;
	[tilespmem:$0x10000] =	vst v63  }
0x56: {  	_ =	swait.ge [sflag:s24], $0x4000  }
0x57: {  	s30 =	simm.s32 $0x180;
	s31 =	simm.s32 $0x10;
	[sflag:s24] =	ssyncset.done $0x0  }
0x58: {  	s1 =	sadd.s32 $0x0, s11;
	s0 =	simm.s32 $0x380;
	[sflag:s24] =	ssyncadd.s32 $0xFFFFC000  }
.LBB2_18:
0x59: {  	[hbm4b:s1+s2] =	stream.linear.scatter [tilespmem:s30], [sflag:$0x8], $0x80, $0x38;
	[tilespmem:$0x10000] =	vst v63  }
0x5a: {  	s1 =	smov.u32 s31;
	s30 =	smov.u32 s0;
	p0 =	sne.s32 s31, $0x7F0  }
.Ltmp8:
0x5b: {  	s31 =	sadd.s32 $0x10, s31;
	(pc) =	sbr.rel @p0 .LBB2_18-.Ltmp8, $2  }
0x5c: {  	_ =	sdelay $0x2  }
0x5d: {  	s0 =	sadd.s32 $0x200, s0;
	s1 =	sadd.s32 s1, s11  }
0x5e: {  	[hbm4b:s1+s2] =	stream.linear.scatter [tilespmem:s30], [sflag:$0x8], $0x80, $0x38;
	[tilespmem:$0x10000] =	vst v63  }
0x5f: {  	_ =	swait.ge [sflag:s25], $0x4000  }
0x60: {  	s30 =	simm.s32 $0x80;
	s31 =	simm.s32 $0x10;
	[sflag:s25] =	ssyncset.done $0x0  }
0x61: {  	s1 =	sadd.s32 $0x0, s12;
	s0 =	simm.s32 $0x280;
	[sflag:s25] =	ssyncadd.s32 $0xFFFFC000  }
.LBB2_20:
0x62: {  	[tilespmem:s30], [sflag:$0x2] =	stream.linear.gather [hbm4b:s1+s2], $0x80, $0x38;
	[tilespmem:$0x10000] =	vst v63  }
0x63: {  	s1 =	smov.u32 s31;
	s30 =	smov.u32 s0;
	p0 =	sne.s32 s31, $0x7F0  }
.Ltmp9:
0x64: {  	s31 =	sadd.s32 $0x10, s31;
	(pc) =	sbr.rel @p0 .LBB2_20-.Ltmp9, $2  }
0x65: {  	_ =	sdelay $0x2  }
0x66: {  	s0 =	sadd.s32 $0x200, s0;
	s1 =	sadd.s32 s1, s12  }
0x67: {  	[tilespmem:s30], [sflag:$0x2] =	stream.linear.gather [hbm4b:s1+s2], $0x80, $0x38;
	[tilespmem:$0x10000] =	vst v63  }
0x68: {  	_ =	swait.ge [sflag:s20], $0x4000  }
0x69: {  	s30 =	simm.s32 $0x0;
	s31 =	simm.s32 $0x10;
	[sflag:s20] =	ssyncset.done $0x0  }
0x6a: {  	s1 =	sadd.s32 $0x0, s13;
	s0 =	simm.s32 $0x200;
	[sflag:s20] =	ssyncadd.s32 $0xFFFFC000  }
.LBB2_22:
0x6b: {  	[hbm4b:s1+s2] =	stream.linear.scatter [tilespmem:s30], [sflag:$0x5], $0x80, $0x38;
	[tilespmem:$0x10000] =	vst v63  }
0x6c: {  	s1 =	smov.u32 s31;
	s30 =	smov.u32 s0;
	p0 =	sne.s32 s31, $0x7F0  }
.Ltmp10:
0x6d: {  	s31 =	sadd.s32 $0x10, s31;
	(pc) =	sbr.rel @p0 .LBB2_22-.Ltmp10, $2  }
0x6e: {  	_ =	sdelay $0x2  }
0x6f: {  	s0 =	sadd.s32 $0x200, s0;
	s1 =	sadd.s32 s1, s13  }
0x70: {  	[hbm4b:s1+s2] =	stream.linear.scatter [tilespmem:s30], [sflag:$0x5], $0x80, $0x38;
	[tilespmem:$0x10000] =	vst v63  }
0x71: {  	_ =	swait.ge [sflag:s26], $0x4000  }
0x72: {  	s30 =	simm.s32 $0x100;
	s31 =	simm.s32 $0x10;
	[sflag:s26] =	ssyncset.done $0x0  }
0x73: {  	s1 =	sadd.s32 $0x0, s14;
	s0 =	simm.s32 $0x300;
	[sflag:s26] =	ssyncadd.s32 $0xFFFFC000  }
.LBB2_24:
0x74: {  	[tilespmem:s30], [sflag:$0x3] =	stream.linear.gather [hbm4b:s1+s2], $0x80, $0x38;
	[tilespmem:$0x10000] =	vst v63  }
0x75: {  	s1 =	smov.u32 s31;
	s30 =	smov.u32 s0;
	p0 =	sne.s32 s31, $0x7F0  }
.Ltmp11:
0x76: {  	s31 =	sadd.s32 $0x10, s31;
	(pc) =	sbr.rel @p0 .LBB2_24-.Ltmp11, $2  }
0x77: {  	_ =	sdelay $0x2  }
0x78: {  	s0 =	sadd.s32 $0x200, s0;
	s1 =	sadd.s32 s1, s14  }
0x79: {  	[tilespmem:s30], [sflag:$0x3] =	stream.linear.gather [hbm4b:s1+s2], $0x80, $0x38;
	[tilespmem:$0x10000] =	vst v63  }
0x7a: {  	_ =	swait.ge [sflag:s21], $0x4000  }
0x7b: {  	s30 =	simm.s32 $0x80;
	s31 =	simm.s32 $0x10;
	[sflag:s21] =	ssyncset.done $0x0  }
0x7c: {  	s1 =	sadd.s32 $0x0, s15;
	s0 =	simm.s32 $0x280;
	[sflag:s21] =	ssyncadd.s32 $0xFFFFC000  }
.LBB2_26:
0x7d: {  	[hbm4b:s1+s2] =	stream.linear.scatter [tilespmem:s30], [sflag:$0x6], $0x80, $0x38;
	[tilespmem:$0x10000] =	vst v63  }
0x7e: {  	s1 =	smov.u32 s31;
	s30 =	smov.u32 s0;
	p0 =	sne.s32 s31, $0x7F0  }
.Ltmp12:
0x7f: {  	s31 =	sadd.s32 $0x10, s31;
	(pc) =	sbr.rel @p0 .LBB2_26-.Ltmp12, $2  }
0x80: {  	_ =	sdelay $0x2  }
0x81: {  	s0 =	sadd.s32 $0x200, s0;
	s1 =	sadd.s32 s1, s15  }
0x82: {  	[hbm4b:s1+s2] =	stream.linear.scatter [tilespmem:s30], [sflag:$0x6], $0x80, $0x38;
	[tilespmem:$0x10000] =	vst v63  }
0x83: {  	_ =	swait.ge [sflag:s28], $0x4000  }
0x84: {  	s30 =	simm.s32 $0x180;
	s31 =	simm.s32 $0x10;
	[sflag:s28] =	ssyncset.done $0x0  }
0x85: {  	s1 =	sadd.s32 $0x0, s16;
	s0 =	simm.s32 $0x380;
	[sflag:s28] =	ssyncadd.s32 $0xFFFFC000  }
.LBB2_28:
0x86: {  	[tilespmem:s30], [sflag:$0x4] =	stream.linear.gather [hbm4b:s1+s2], $0x80, $0x38;
	[tilespmem:$0x10000] =	vst v63  }
0x87: {  	s1 =	smov.u32 s31;
	s30 =	smov.u32 s0;
	p0 =	sne.s32 s31, $0x7F0  }
.Ltmp13:
0x88: {  	s31 =	sadd.s32 $0x10, s31;
	(pc) =	sbr.rel @p0 .LBB2_28-.Ltmp13, $2  }
0x89: {  	_ =	sdelay $0x2  }
0x8a: {  	s0 =	sadd.s32 $0x200, s0;
	s1 =	sadd.s32 s1, s16  }
0x8b: {  	[tilespmem:s30], [sflag:$0x4] =	stream.linear.gather [hbm4b:s1+s2], $0x80, $0x38;
	[tilespmem:$0x10000] =	vst v63  }
0x8c: {  	_ =	swait.ge [sflag:s22], $0x4000  }
0x8d: {  	s30 =	simm.s32 $0x100;
	s31 =	simm.s32 $0x10;
	[sflag:s22] =	ssyncset.done $0x0  }
0x8e: {  	s1 =	sadd.s32 $0x0, s17;
	s0 =	simm.s32 $0x300;
	[sflag:s22] =	ssyncadd.s32 $0xFFFFC000  }
.LBB2_30:
0x8f: {  	[hbm4b:s1+s2] =	stream.linear.scatter [tilespmem:s30], [sflag:$0x7], $0x80, $0x38;
	[tilespmem:$0x10000] =	vst v63  }
0x90: {  	s1 =	smov.u32 s31;
	s30 =	smov.u32 s0;
	p0 =	sne.s32 s31, $0x7F0  }
.Ltmp14:
0x91: {  	s31 =	sadd.s32 $0x10, s31;
	(pc) =	sbr.rel @p0 .LBB2_30-.Ltmp14, $2  }
0x92: {  	_ =	sdelay $0x2  }
0x93: {  	s0 =	sadd.s32 $0x200, s0;
	s1 =	sadd.s32 s1, s17  }
0x94: {  	[hbm4b:s1+s2] =	stream.linear.scatter [tilespmem:s30], [sflag:$0x7], $0x80, $0x38;
	[tilespmem:$0x10000] =	vst v63  }
0x95: {  	_ =	swait.ge [sflag:s24], $0x4000  }
0x96: {  	s30 =	simm.s32 $0x180;
	s31 =	simm.s32 $0x10;
	[sflag:s24] =	ssyncset.done $0x0  }
0x97: {  	s1 =	sadd.s32 $0x0, s18;
	s0 =	simm.s32 $0x380;
	[sflag:s24] =	ssyncadd.s32 $0xFFFFC000  }
.LBB2_32:
0x98: {  	[hbm4b:s1+s2] =	stream.linear.scatter [tilespmem:s30], [sflag:$0x8], $0x80, $0x38;
	[tilespmem:$0x10000] =	vst v63  }
0x99: {  	s1 =	smov.u32 s31;
	s30 =	smov.u32 s0;
	p0 =	sne.s32 s31, $0x7F0  }
.Ltmp15:
0x9a: {  	s31 =	sadd.s32 $0x10, s31;
	(pc) =	sbr.rel @p0 .LBB2_32-.Ltmp15, $2  }
0x9b: {  	_ =	sdelay $0x2  }
0x9c: {  	s0 =	sadd.s32 $0x200, s0;
	s1 =	sadd.s32 s1, s18  }
0x9d: {  	[hbm4b:s1+s2] =	stream.linear.scatter [tilespmem:s30], [sflag:$0x8], $0x80, $0x38;
	[tilespmem:$0x10000] =	vst v63  }
0x9e: {  	_ =	swait.ge [sflag:s23], $0x4000  }
0x9f: {  	[sflag:s23] =	ssyncset.done $0x0  }
0xa0: {  	[sflag:s23] =	ssyncadd.s32 $0xFFFFC000  }
0xa1: {  	_ =	swait.ge [sflag:s25], $0x4000  }
0xa2: {  	[sflag:s25] =	ssyncset.done $0x0  }
0xa3: {  	s29 =	sadd.s32 $0x1, s29;
	[sflag:s25] =	ssyncadd.s32 $0xFFFFC000  }
0xa4: {  	p0 =	sne.s32 s29, s19;
	_ =	swait.ge [sflag:s26], $0x4000  }
.Ltmp16:
0xa5: {  	[sflag:s26] =	ssyncset.done $0x0;
	(pc) =	sbr.rel @p0 .LBB2_1-.Ltmp16, $4  }
0xa6: {  	[sflag:s26] =	ssyncadd.s32 $0xFFFFC000  }
0xa7: {  	_ =	swait.ge [sflag:s28], $0x4000  }
0xa8: {  	[sflag:s28] =	ssyncset.done $0x0  }
0xa9: {  	[sflag:s28] =	ssyncadd.s32 $0xFFFFC000  }
0xaa: {  	_ =	sfence.sel $0x180000  }
0xab: {  	[bflag:$0x0] =	sbarrier.arrive $0xFFFF  }
0xac: {  	_ =	strace $0x90000047  }
0xad: {  	s0 =	stileid.u32;
	[bflag:$0x2] =	sbarrier.arrive $0xFFFF  }
0xae: {  	p0 =	sne.s32 s0, $0x0;
	s0 =	rddreg [dreg:$0x2]  }
0xaf: {  	s0 =	sadd.s32 @!p0 $0x100000, s0  }
0xb0: {  	[sflag:s0] =	ssyncadd.tile.s32 @!p0 $0x1;
	_ =	shalt  }
.Lfunc_end2:
_tile_overlayer_lowered:
.L_overlay_start_2:
0xb1: {  	(tag) =	ssettag $0x2  }
0xb2: {  	s0 =	rddreg [dreg:$0x0];
	s2 =	stileid.u32  }
0xb3: {  	s1 =	rddreg [dreg:$0x1];
	p0 =	sne.s32 s2, $0x0  }
0xb4: {  	s3 =	rddreg [dreg:$0x2];
	[bflag:$0x3] =	sbarrier.arrive $0xFFFF;
	s2 =	simm.s32 @!p0 $0x1C09  }
0xb5: {  	[timem:s3], [sflag:s2] =	dma.local @!p0 [hbm:s0], s1  }
0xb6: {  	s0 =	simm.s32 @!p0 $0x9  }
0xb7: {  	_ =	swait.ge @!p0 [sflag:s0], s1  }
0xb8: {  	s1 =	ssub.s32 @!p0 $0x0, s1;
	[sflag:s0] =	ssyncset.done @!p0 $0x0  }
0xb9: {  	[sflag:s0] =	ssyncadd.s32 @!p0 s1  }
0xba: {  	[bflag:$0x3] =	sbarrier.arrive $0xFFFF  }
0xbb: {  	_ =	shalt  }

</sc_bundles>
